<compile_context>
chip_gen: v7x
topology: tpu7x:2x2x1
jax: 0.10.2.dev20260603
libtpu: 0.0.44.dev20260713+nightly
codegen_flags: <defaults>
</compile_context>

<pallas_src>
import functools

import jax
import jax.numpy as jnp
from jax import lax
from jax.experimental import pallas as pl
from jax.experimental.pallas import tpu as pltpu
from jax.experimental.pallas import tpu_sc as plsc

_V, _E, _H, _O = 1000000, 64, 128, 5
_B, _L = 16384, 50
_OP = 16
_BLK = 8000
_BLK8 = _BLK // 8

_NC, _NS = 2, 16
_NW = _NC * _NS
_BPW = _B // _NW
_IPW = _BPW * _L
_CB = 32
_NCH = _BPW // _CB
_ICH = _CB * _L
_G = 80
_NG = _ICH // _G


def _mlp_body(x_ref, w1_ref, b1_ref, w2_ref, b2_ref, w3c_ref, b3r_ref, o_ref):
    bm = lambda a, b: jnp.dot(a.astype(jnp.bfloat16), b.astype(jnp.bfloat16),
                              preferred_element_type=jnp.float32)
    hs = []
    for q in range(4):
        xp = jnp.concatenate([x_ref[2 * q], x_ref[2 * q + 1]], axis=1)
        h = jnp.tanh(bm(xp, w1_ref[...]) + b1_ref[...])
        h = jnp.tanh(bm(h, w2_ref[...]) + b2_ref[...])
        hs.append(h)
    hcat = jnp.concatenate(hs, axis=1)
    o_ref[...] = (bm(hcat, w3c_ref[...]) + b3r_ref[...]).reshape(_BLK8 * 128)


def _precompute_logits(table_r, W1, b1, W2, b2, W3c, b3row):
    return pl.pallas_call(
        _mlp_body,
        grid=(_V // _BLK,),
        in_specs=[
            pl.BlockSpec((8, _BLK8, _E), lambda i: (0, i, 0)),
            pl.BlockSpec((2 * _E, 2 * _H), lambda i: (0, 0)),
            pl.BlockSpec((1, 2 * _H), lambda i: (0, 0)),
            pl.BlockSpec((2 * _H, 2 * _H), lambda i: (0, 0)),
            pl.BlockSpec((1, 2 * _H), lambda i: (0, 0)),
            pl.BlockSpec((8 * _H, 128), lambda i: (0, 0)),
            pl.BlockSpec((1, 128), lambda i: (0, 0)),
        ],
        out_specs=pl.BlockSpec((_BLK8 * 128,), lambda i: (i,)),
        out_shape=jax.ShapeDtypeStruct((_V * _OP,), jnp.float32),
    )(table_r, W1, b1, W2, b2, W3c, b3row)


def _sc_gather_sum(p, idx_flat):
    mesh = plsc.VectorSubcoreMesh(core_axis_name="c", subcore_axis_name="s",
                                  num_cores=_NC, num_subcores=_NS)

    @functools.partial(
        pl.kernel,
        mesh=mesh,
        compiler_params=pltpu.CompilerParams(use_tc_tiling_on_sc=False),
        out_type=jax.ShapeDtypeStruct((_B, _OP), jnp.float32),
        scratch_types=[
            pltpu.VMEM((_IPW,), jnp.int32),
            pltpu.VMEM((2 * _ICH, _OP), jnp.float32),
            pltpu.VMEM((_CB, _OP), jnp.float32),
            pltpu.SemaphoreType.DMA,
            pltpu.SemaphoreType.DMA,
        ],
    )
    def k(p_hbm, idx_hbm, out_hbm, idx_v, rows_v, out_v, sem0, sem1):
        wid = lax.axis_index("s") * _NC + lax.axis_index("c")
        pltpu.sync_copy(
            idx_hbm.at[pl.ds(pl.multiple_of(wid * _IPW, _IPW), _IPW)], idx_v)
        sems = (sem0, sem1)

        def issue(ch, half):
            cbase = pl.multiple_of(ch * _ICH, _ICH)
            for g in range(_NG):
                pltpu.async_copy(
                    p_hbm.at[idx_v.at[pl.ds(cbase + g * _G, _G)]],
                    rows_v.at[pl.ds(half * _ICH + g * _G, _G)], sems[half])

        def drain(half):
            pltpu.make_async_copy(
                p_hbm.at[pl.ds(0, _ICH)],
                rows_v.at[pl.ds(half * _ICH, _ICH)], sems[half]).wait()

        def accum(ch, half):
            def row(r, c2):
                base = half * _ICH + r * _L
                vals = [rows_v[base + l] for l in range(_L)]
                while len(vals) > 1:
                    nxt = [vals[i] + vals[i + 1]
                           for i in range(0, len(vals) - 1, 2)]
                    if len(vals) % 2:
                        nxt.append(vals[-1])
                    vals = nxt
                out_v[r] = vals[0]
                return c2

            lax.fori_loop(0, _CB, row, 0)
            obase = pl.multiple_of(wid * _BPW + ch * _CB, _CB)
            pltpu.sync_copy(out_v, out_hbm.at[pl.ds(obase, _CB)])

        issue(0, 0)

        def body(i, carry):
            ch0 = 2 * i
            issue(ch0 + 1, 1)
            drain(0)
            accum(ch0, 0)

            @pl.when(i < _NCH // 2 - 1)
            def _():
                issue(ch0 + 2, 0)

            drain(1)
            accum(ch0 + 1, 1)
            return carry

        lax.fori_loop(0, _NCH // 2, body, 0)

    return k(p, idx_flat)


def kernel(inputs, table, W1, b1, W2, b2, W3, b3):
    W3p = jnp.pad(W3, ((0, 0), (0, _OP - _O)))
    zEH = jnp.zeros((_E, _H), jnp.float32)
    zHH = jnp.zeros((_H, _H), jnp.float32)
    W1p = jnp.block([[W1, zEH], [zEH, W1]])
    W2p = jnp.block([[W2, zHH], [zHH, W2]])
    b1p = jnp.tile(b1, 2).reshape(1, 2 * _H)
    b2p = jnp.tile(b2, 2).reshape(1, 2 * _H)
    W3c = jnp.zeros((8 * _H, 128), jnp.float32)
    for q in range(4):
        for j in range(2):
            r0, c0 = 256 * q + 128 * j, 16 * (2 * q + j)
            W3c = W3c.at[r0:r0 + _H, c0:c0 + _OP].set(W3p)
    b3row = jnp.tile(jnp.pad(b3, (0, _OP - _O)), 8).reshape(1, 128)
    p2 = _precompute_logits(table.reshape(8, _V // 8, _E), W1p,
                            b1p, W2p, b2p, W3c, b3row)
    idx = inputs.reshape(_B * _L)
    a = jnp.zeros_like(idx)
    for kth in range(1, 8):
        a = a + (idx >= kth * (_V // 8)).astype(jnp.int32)
    idx2 = (idx - a * (_V // 8)) * 8 + a
    out = _sc_gather_sum(p2.reshape(_V, _OP), idx2)
    return out[:, :_O]

# --- scband reference (transcript-rebuilt; emitter-appended) ---
"""Pipeline reference for scband-deep-cbow-70446053589252 (READ-ONLY COPY).

The authoritative reference and input builder live on the scoring server;
editing this copy changes nothing except your own understanding.
"""

import jax, jax.numpy as jnp
import numpy as np

V, E, H, O = 1000000, 64, 128, 5
B, L = 16384, 50

def setup_inputs(seed: int = 0) -> dict:
    key = jax.random.key(seed)
    ks = jax.random.split(key, 8)
    inputs = jax.random.randint(ks[0], (B, L), 0, V, dtype=jnp.int64 if jax.config.jax_enable_x64 else jnp.int32).astype(jnp.int32)
    table = jax.random.normal(ks[1], (V, E), dtype=jnp.float32)
    W1 = jax.random.normal(ks[2], (E, H), dtype=jnp.float32) * (1.0 / np.sqrt(E))
    b1 = jnp.zeros((H,), dtype=jnp.float32)
    W2 = jax.random.normal(ks[3], (H, H), dtype=jnp.float32) * (1.0 / np.sqrt(H))
    b2 = jnp.zeros((H,), dtype=jnp.float32)
    W3 = jax.random.normal(ks[4], (H, O), dtype=jnp.float32) * (1.0 / np.sqrt(H))
    b3 = jnp.zeros((O,), dtype=jnp.float32)
    return {"inputs": inputs, "table": table, "W1": W1, "b1": b1, "W2": W2, "b2": b2, "W3": W3, "b3": b3}

def reference(inputs, table, W1, b1, W2, b2, W3, b3):
    # Embedding lookup: [B, L] -> [B, L, E]
    x = jnp.take(table, inputs, axis=0)
    h = jnp.tanh(x @ W1 + b1)
    h = jnp.tanh(h @ W2 + b2)
    logits = h @ W3 + b3          # [B, L, O]
    return logits.sum(axis=1)     # [B, O]

if __name__ == "__main__":
    import jax
    _d = setup_inputs()
    print(jax.jit(kernel)(*tuple(_d.values())))

</pallas_src>

<mosaic_0001>
#map = affine_map<(d0, d1) -> (0, 0)>
#map1 = affine_map<(d0, d1) -> (0)>
module attributes {stable_mosaic.version = 14 : i64} {
  func.func @k(%arg0: i32, %arg1: i32, %arg2: memref<1000000x16xf32, #tpu.memory_space<hbm>>, %arg3: memref<819200xi32, #tpu.memory_space<hbm>>, %arg4: memref<16384x16xf32, #tpu.memory_space<hbm>>, %arg5: memref<25600xi32, #tpu.memory_space<vmem>>, %arg6: memref<3200x16xf32, #tpu.memory_space<vmem>>, %arg7: memref<32x16xf32, #tpu.memory_space<vmem>>, %arg8: memref<!tpu.dma_semaphore, #tpu.memory_space<semaphore_mem>>, %arg9: memref<!tpu.dma_semaphore, #tpu.memory_space<semaphore_mem>>) attributes {dimension_semantics = [#tpu.dimension_semantics<core_parallel>, #tpu.dimension_semantics<subcore_parallel>], iteration_bounds = array<i64: 2, 16>, scalar_prefetch = 0 : i64, scratch_operands = 5 : i64, tpu.core_type = #tpu.core_type<sc_vector_subcore>, window_params = [{transform_indices = #map}, {transform_indices = #map1}, {transform_indices = #map}]} {
    %mul3A = arith.constant 2 : i32
    %mul3A_0 = arith.muli %arg1, %mul3A : i32
    %add3A = arith.addi %mul3A_0, %arg0 : i32
    %mul3A_1 = arith.constant 25600 : i32
    %mul3A_2 = arith.muli %add3A, %mul3A_1 : i32
    %multiple_of3A = tpu.assume_multiple %mul3A_2, 25600 : i32
    "tpu.region"() ({
      %run_scoped3A = tpu.sem_alloc : memref<!tpu.dma_semaphore, #tpu.memory_space<semaphore_mem>>
      %dma_start3A_189 = tpu.memref_slice %arg3[%multiple_of3A] : memref<819200xi32, #tpu.memory_space<hbm>> -> memref<25600xi32, #tpu.memory_space<hbm>>
      %dma_start3A_190 = tpu.memref_slice %arg3[%multiple_of3A] : memref<819200xi32, #tpu.memory_space<hbm>> -> memref<25600xi32, #tpu.memory_space<hbm>>
      tpu.enqueue_dma source(%dma_start3A_190 : memref<25600xi32, #tpu.memory_space<hbm>>) target(%arg5 : memref<25600xi32, #tpu.memory_space<vmem>>) target_semaphore(%run_scoped3A : memref<!tpu.dma_semaphore, #tpu.memory_space<semaphore_mem>>)
      %dma_wait3A = tpu.memref_slice %arg3[%multiple_of3A] : memref<819200xi32, #tpu.memory_space<hbm>> -> memref<25600xi32, #tpu.memory_space<hbm>>
      %dma_wait3A_191 = tpu.memref_slice %arg3[%multiple_of3A] : memref<819200xi32, #tpu.memory_space<hbm>> -> memref<25600xi32, #tpu.memory_space<hbm>>
      tpu.wait_dma2 semaphore(%run_scoped3A : memref<!tpu.dma_semaphore, #tpu.memory_space<semaphore_mem>>) src(%dma_wait3A_191 : memref<25600xi32, #tpu.memory_space<hbm>>) dst(%arg5 : memref<25600xi32, #tpu.memory_space<vmem>>)
      tpu.yield
    }) : () -> ()
    %multiple_of3A_3 = arith.constant 0 : i32
    %multiple_of3A_4 = tpu.assume_multiple %multiple_of3A_3, 1600 : i32
    %add3A_5 = arith.constant 0 : i32
    %add3A_6 = arith.addi %multiple_of3A_4, %add3A_5 : i32
    %dma_start3A = arith.constant 0 : i32
    %dma_start3A_7 = arith.constant 0 : i32
    %dma_start3A_8 = tpu.memref_slice %arg6[%dma_start3A, %dma_start3A_7] : memref<3200x16xf32, #tpu.memory_space<vmem>> -> memref<80x16xf32, #tpu.memory_space<vmem>>
    %dma_start3A_9 = tpu.memref_slice %arg5[%add3A_6] : memref<25600xi32, #tpu.memory_space<vmem>> -> memref<80xi32, #tpu.memory_space<vmem>>
    %dma_start3A_10 = arith.constant 0 : i32
    %dma_start3A_11 = arith.constant 0 : i32
    %dma_start3A_12 = tpu.memref_slice %arg2[%dma_start3A_10, %dma_start3A_11] : memref<1000000x16xf32, #tpu.memory_space<hbm>> -> memref<1000000x16xf32, #tpu.memory_space<hbm>>
    tpu.enqueue_indirect_dma source(%dma_start3A_12 : memref<1000000x16xf32, #tpu.memory_space<hbm>>) target(%dma_start3A_8 : memref<80x16xf32, #tpu.memory_space<vmem>>) offsets(%dma_start3A_9 : memref<80xi32, #tpu.memory_space<vmem>>) semaphore(%arg8 : memref<!tpu.dma_semaphore, #tpu.memory_space<semaphore_mem>>)
    %add3A_13 = arith.constant 80 : i32
    %add3A_14 = arith.addi %multiple_of3A_4, %add3A_13 : i32
    %dma_start3A_15 = arith.constant 80 : i32
    %dma_start3A_16 = arith.constant 0 : i32
    %dma_start3A_17 = tpu.memref_slice %arg6[%dma_start3A_15, %dma_start3A_16] : memref<3200x16xf32, #tpu.memory_space<vmem>> -> memref<80x16xf32, #tpu.memory_space<vmem>>
    %dma_start3A_18 = tpu.memref_slice %arg5[%add3A_14] : memref<25600xi32, #tpu.memory_space<vmem>> -> memref<80xi32, #tpu.memory_space<vmem>>
    %dma_start3A_19 = arith.constant 0 : i32
    %dma_start3A_20 = arith.constant 0 : i32
    %dma_start3A_21 = tpu.memref_slice %arg2[%dma_start3A_19, %dma_start3A_20] : memref<1000000x16xf32, #tpu.memory_space<hbm>> -> memref<1000000x16xf32, #tpu.memory_space<hbm>>
    tpu.enqueue_indirect_dma source(%dma_start3A_21 : memref<1000000x16xf32, #tpu.memory_space<hbm>>) target(%dma_start3A_17 : memref<80x16xf32, #tpu.memory_space<vmem>>) offsets(%dma_start3A_18 : memref<80xi32, #tpu.memory_space<vmem>>) semaphore(%arg8 : memref<!tpu.dma_semaphore, #tpu.memory_space<semaphore_mem>>)
    %add3A_22 = arith.constant 160 : i32
    %add3A_23 = arith.addi %multiple_of3A_4, %add3A_22 : i32
    %dma_start3A_24 = arith.constant 160 : i32
    %dma_start3A_25 = arith.constant 0 : i32
    %dma_start3A_26 = tpu.memref_slice %arg6[%dma_start3A_24, %dma_start3A_25] : memref<3200x16xf32, #tpu.memory_space<vmem>> -> memref<80x16xf32, #tpu.memory_space<vmem>>
    %dma_start3A_27 = tpu.memref_slice %arg5[%add3A_23] : memref<25600xi32, #tpu.memory_space<vmem>> -> memref<80xi32, #tpu.memory_space<vmem>>
    %dma_start3A_28 = arith.constant 0 : i32
    %dma_start3A_29 = arith.constant 0 : i32
    %dma_start3A_30 = tpu.memref_slice %arg2[%dma_start3A_28, %dma_start3A_29] : memref<1000000x16xf32, #tpu.memory_space<hbm>> -> memref<1000000x16xf32, #tpu.memory_space<hbm>>
    tpu.enqueue_indirect_dma source(%dma_start3A_30 : memref<1000000x16xf32, #tpu.memory_space<hbm>>) target(%dma_start3A_26 : memref<80x16xf32, #tpu.memory_space<vmem>>) offsets(%dma_start3A_27 : memref<80xi32, #tpu.memory_space<vmem>>) semaphore(%arg8 : memref<!tpu.dma_semaphore, #tpu.memory_space<semaphore_mem>>)
    %add3A_31 = arith.constant 240 : i32
    %add3A_32 = arith.addi %multiple_of3A_4, %add3A_31 : i32
    %dma_start3A_33 = arith.constant 240 : i32
    %dma_start3A_34 = arith.constant 0 : i32
    %dma_start3A_35 = tpu.memref_slice %arg6[%dma_start3A_33, %dma_start3A_34] : memref<3200x16xf32, #tpu.memory_space<vmem>> -> memref<80x16xf32, #tpu.memory_space<vmem>>
    %dma_start3A_36 = tpu.memref_slice %arg5[%add3A_32] : memref<25600xi32, #tpu.memory_space<vmem>> -> memref<80xi32, #tpu.memory_space<vmem>>
    %dma_start3A_37 = arith.constant 0 : i32
    %dma_start3A_38 = arith.constant 0 : i32
    %dma_start3A_39 = tpu.memref_slice %arg2[%dma_start3A_37, %dma_start3A_38] : memref<1000000x16xf32, #tpu.memory_space<hbm>> -> memref<1000000x16xf32, #tpu.memory_space<hbm>>
    tpu.enqueue_indirect_dma source(%dma_start3A_39 : memref<1000000x16xf32, #tpu.memory_space<hbm>>) target(%dma_start3A_35 : memref<80x16xf32, #tpu.memory_space<vmem>>) offsets(%dma_start3A_36 : memref<80xi32, #tpu.memory_space<vmem>>) semaphore(%arg8 : memref<!tpu.dma_semaphore, #tpu.memory_space<semaphore_mem>>)
    %add3A_40 = arith.constant 320 : i32
    %add3A_41 = arith.addi %multiple_of3A_4, %add3A_40 : i32
    %dma_start3A_42 = arith.constant 320 : i32
    %dma_start3A_43 = arith.constant 0 : i32
    %dma_start3A_44 = tpu.memref_slice %arg6[%dma_start3A_42, %dma_start3A_43] : memref<3200x16xf32, #tpu.memory_space<vmem>> -> memref<80x16xf32, #tpu.memory_space<vmem>>
    %dma_start3A_45 = tpu.memref_slice %arg5[%add3A_41] : memref<25600xi32, #tpu.memory_space<vmem>> -> memref<80xi32, #tpu.memory_space<vmem>>
    %dma_start3A_46 = arith.constant 0 : i32
    %dma_start3A_47 = arith.constant 0 : i32
    %dma_start3A_48 = tpu.memref_slice %arg2[%dma_start3A_46, %dma_start3A_47] : memref<1000000x16xf32, #tpu.memory_space<hbm>> -> memref<1000000x16xf32, #tpu.memory_space<hbm>>
    tpu.enqueue_indirect_dma source(%dma_start3A_48 : memref<1000000x16xf32, #tpu.memory_space<hbm>>) target(%dma_start3A_44 : memref<80x16xf32, #tpu.memory_space<vmem>>) offsets(%dma_start3A_45 : memref<80xi32, #tpu.memory_space<vmem>>) semaphore(%arg8 : memref<!tpu.dma_semaphore, #tpu.memory_space<semaphore_mem>>)
    %add3A_49 = arith.constant 400 : i32
    %add3A_50 = arith.addi %multiple_of3A_4, %add3A_49 : i32
    %dma_start3A_51 = arith.constant 400 : i32
    %dma_start3A_52 = arith.constant 0 : i32
    %dma_start3A_53 = tpu.memref_slice %arg6[%dma_start3A_51, %dma_start3A_52] : memref<3200x16xf32, #tpu.memory_space<vmem>> -> memref<80x16xf32, #tpu.memory_space<vmem>>
    %dma_start3A_54 = tpu.memref_slice %arg5[%add3A_50] : memref<25600xi32, #tpu.memory_space<vmem>> -> memref<80xi32, #tpu.memory_space<vmem>>
    %dma_start3A_55 = arith.constant 0 : i32
    %dma_start3A_56 = arith.constant 0 : i32
    %dma_start3A_57 = tpu.memref_slice %arg2[%dma_start3A_55, %dma_start3A_56] : memref<1000000x16xf32, #tpu.memory_space<hbm>> -> memref<1000000x16xf32, #tpu.memory_space<hbm>>
    tpu.enqueue_indirect_dma source(%dma_start3A_57 : memref<1000000x16xf32, #tpu.memory_space<hbm>>) target(%dma_start3A_53 : memref<80x16xf32, #tpu.memory_space<vmem>>) offsets(%dma_start3A_54 : memref<80xi32, #tpu.memory_space<vmem>>) semaphore(%arg8 : memref<!tpu.dma_semaphore, #tpu.memory_space<semaphore_mem>>)
    %add3A_58 = arith.constant 480 : i32
    %add3A_59 = arith.addi %multiple_of3A_4, %add3A_58 : i32
    %dma_start3A_60 = arith.constant 480 : i32
    %dma_start3A_61 = arith.constant 0 : i32
    %dma_start3A_62 = tpu.memref_slice %arg6[%dma_start3A_60, %dma_start3A_61] : memref<3200x16xf32, #tpu.memory_space<vmem>> -> memref<80x16xf32, #tpu.memory_space<vmem>>
    %dma_start3A_63 = tpu.memref_slice %arg5[%add3A_59] : memref<25600xi32, #tpu.memory_space<vmem>> -> memref<80xi32, #tpu.memory_space<vmem>>
    %dma_start3A_64 = arith.constant 0 : i32
    %dma_start3A_65 = arith.constant 0 : i32
    %dma_start3A_66 = tpu.memref_slice %arg2[%dma_start3A_64, %dma_start3A_65] : memref<1000000x16xf32, #tpu.memory_space<hbm>> -> memref<1000000x16xf32, #tpu.memory_space<hbm>>
    tpu.enqueue_indirect_dma source(%dma_start3A_66 : memref<1000000x16xf32, #tpu.memory_space<hbm>>) target(%dma_start3A_62 : memref<80x16xf32, #tpu.memory_space<vmem>>) offsets(%dma_start3A_63 : memref<80xi32, #tpu.memory_space<vmem>>) semaphore(%arg8 : memref<!tpu.dma_semaphore, #tpu.memory_space<semaphore_mem>>)
    %add3A_67 = arith.constant 560 : i32
    %add3A_68 = arith.addi %multiple_of3A_4, %add3A_67 : i32
    %dma_start3A_69 = arith.constant 560 : i32
    %dma_start3A_70 = arith.constant 0 : i32
    %dma_start3A_71 = tpu.memref_slice %arg6[%dma_start3A_69, %dma_start3A_70] : memref<3200x16xf32, #tpu.memory_space<vmem>> -> memref<80x16xf32, #tpu.memory_space<vmem>>
    %dma_start3A_72 = tpu.memref_slice %arg5[%add3A_68] : memref<25600xi32, #tpu.memory_space<vmem>> -> memref<80xi32, #tpu.memory_space<vmem>>
    %dma_start3A_73 = arith.constant 0 : i32
    %dma_start3A_74 = arith.constant 0 : i32
    %dma_start3A_75 = tpu.memref_slice %arg2[%dma_start3A_73, %dma_start3A_74] : memref<1000000x16xf32, #tpu.memory_space<hbm>> -> memref<1000000x16xf32, #tpu.memory_space<hbm>>
    tpu.enqueue_indirect_dma source(%dma_start3A_75 : memref<1000000x16xf32, #tpu.memory_space<hbm>>) target(%dma_start3A_71 : memref<80x16xf32, #tpu.memory_space<vmem>>) offsets(%dma_start3A_72 : memref<80xi32, #tpu.memory_space<vmem>>) semaphore(%arg8 : memref<!tpu.dma_semaphore, #tpu.memory_space<semaphore_mem>>)
    %add3A_76 = arith.constant 640 : i32
    %add3A_77 = arith.addi %multiple_of3A_4, %add3A_76 : i32
    %dma_start3A_78 = arith.constant 640 : i32
    %dma_start3A_79 = arith.constant 0 : i32
    %dma_start3A_80 = tpu.memref_slice %arg6[%dma_start3A_78, %dma_start3A_79] : memref<3200x16xf32, #tpu.memory_space<vmem>> -> memref<80x16xf32, #tpu.memory_space<vmem>>
    %dma_start3A_81 = tpu.memref_slice %arg5[%add3A_77] : memref<25600xi32, #tpu.memory_space<vmem>> -> memref<80xi32, #tpu.memory_space<vmem>>
    %dma_start3A_82 = arith.constant 0 : i32
    %dma_start3A_83 = arith.constant 0 : i32
    %dma_start3A_84 = tpu.memref_slice %arg2[%dma_start3A_82, %dma_start3A_83] : memref<1000000x16xf32, #tpu.memory_space<hbm>> -> memref<1000000x16xf32, #tpu.memory_space<hbm>>
    tpu.enqueue_indirect_dma source(%dma_start3A_84 : memref<1000000x16xf32, #tpu.memory_space<hbm>>) target(%dma_start3A_80 : memref<80x16xf32, #tpu.memory_space<vmem>>) offsets(%dma_start3A_81 : memref<80xi32, #tpu.memory_space<vmem>>) semaphore(%arg8 : memref<!tpu.dma_semaphore, #tpu.memory_space<semaphore_mem>>)
    %add3A_85 = arith.constant 720 : i32
    %add3A_86 = arith.addi %multiple_of3A_4, %add3A_85 : i32
    %dma_start3A_87 = arith.constant 720 : i32
    %dma_start3A_88 = arith.constant 0 : i32
    %dma_start3A_89 = tpu.memref_slice %arg6[%dma_start3A_87, %dma_start3A_88] : memref<3200x16xf32, #tpu.memory_space<vmem>> -> memref<80x16xf32, #tpu.memory_space<vmem>>
    %dma_start3A_90 = tpu.memref_slice %arg5[%add3A_86] : memref<25600xi32, #tpu.memory_space<vmem>> -> memref<80xi32, #tpu.memory_space<vmem>>
    %dma_start3A_91 = arith.constant 0 : i32
    %dma_start3A_92 = arith.constant 0 : i32
    %dma_start3A_93 = tpu.memref_slice %arg2[%dma_start3A_91, %dma_start3A_92] : memref<1000000x16xf32, #tpu.memory_space<hbm>> -> memref<1000000x16xf32, #tpu.memory_space<hbm>>
    tpu.enqueue_indirect_dma source(%dma_start3A_93 : memref<1000000x16xf32, #tpu.memory_space<hbm>>) target(%dma_start3A_89 : memref<80x16xf32, #tpu.memory_space<vmem>>) offsets(%dma_start3A_90 : memref<80xi32, #tpu.memory_space<vmem>>) semaphore(%arg8 : memref<!tpu.dma_semaphore, #tpu.memory_space<semaphore_mem>>)
    %add3A_94 = arith.constant 800 : i32
    %add3A_95 = arith.addi %multiple_of3A_4, %add3A_94 : i32
    %dma_start3A_96 = arith.constant 800 : i32
    %dma_start3A_97 = arith.constant 0 : i32
    %dma_start3A_98 = tpu.memref_slice %arg6[%dma_start3A_96, %dma_start3A_97] : memref<3200x16xf32, #tpu.memory_space<vmem>> -> memref<80x16xf32, #tpu.memory_space<vmem>>
    %dma_start3A_99 = tpu.memref_slice %arg5[%add3A_95] : memref<25600xi32, #tpu.memory_space<vmem>> -> memref<80xi32, #tpu.memory_space<vmem>>
    %dma_start3A_100 = arith.constant 0 : i32
    %dma_start3A_101 = arith.constant 0 : i32
    %dma_start3A_102 = tpu.memref_slice %arg2[%dma_start3A_100, %dma_start3A_101] : memref<1000000x16xf32, #tpu.memory_space<hbm>> -> memref<1000000x16xf32, #tpu.memory_space<hbm>>
    tpu.enqueue_indirect_dma source(%dma_start3A_102 : memref<1000000x16xf32, #tpu.memory_space<hbm>>) target(%dma_start3A_98 : memref<80x16xf32, #tpu.memory_space<vmem>>) offsets(%dma_start3A_99 : memref<80xi32, #tpu.memory_space<vmem>>) semaphore(%arg8 : memref<!tpu.dma_semaphore, #tpu.memory_space<semaphore_mem>>)
    %add3A_103 = arith.constant 880 : i32
    %add3A_104 = arith.addi %multiple_of3A_4, %add3A_103 : i32
    %dma_start3A_105 = arith.constant 880 : i32
    %dma_start3A_106 = arith.constant 0 : i32
    %dma_start3A_107 = tpu.memref_slice %arg6[%dma_start3A_105, %dma_start3A_106] : memref<3200x16xf32, #tpu.memory_space<vmem>> -> memref<80x16xf32, #tpu.memory_space<vmem>>
    %dma_start3A_108 = tpu.memref_slice %arg5[%add3A_104] : memref<25600xi32, #tpu.memory_space<vmem>> -> memref<80xi32, #tpu.memory_space<vmem>>
    %dma_start3A_109 = arith.constant 0 : i32
    %dma_start3A_110 = arith.constant 0 : i32
    %dma_start3A_111 = tpu.memref_slice %arg2[%dma_start3A_109, %dma_start3A_110] : memref<1000000x16xf32, #tpu.memory_space<hbm>> -> memref<1000000x16xf32, #tpu.memory_space<hbm>>
    tpu.enqueue_indirect_dma source(%dma_start3A_111 : memref<1000000x16xf32, #tpu.memory_space<hbm>>) target(%dma_start3A_107 : memref<80x16xf32, #tpu.memory_space<vmem>>) offsets(%dma_start3A_108 : memref<80xi32, #tpu.memory_space<vmem>>) semaphore(%arg8 : memref<!tpu.dma_semaphore, #tpu.memory_space<semaphore_mem>>)
    %add3A_112 = arith.constant 960 : i32
    %add3A_113 = arith.addi %multiple_of3A_4, %add3A_112 : i32
    %dma_start3A_114 = arith.constant 960 : i32
    %dma_start3A_115 = arith.constant 0 : i32
    %dma_start3A_116 = tpu.memref_slice %arg6[%dma_start3A_114, %dma_start3A_115] : memref<3200x16xf32, #tpu.memory_space<vmem>> -> memref<80x16xf32, #tpu.memory_space<vmem>>
    %dma_start3A_117 = tpu.memref_slice %arg5[%add3A_113] : memref<25600xi32, #tpu.memory_space<vmem>> -> memref<80xi32, #tpu.memory_space<vmem>>
    %dma_start3A_118 = arith.constant 0 : i32
    %dma_start3A_119 = arith.constant 0 : i32
    %dma_start3A_120 = tpu.memref_slice %arg2[%dma_start3A_118, %dma_start3A_119] : memref<1000000x16xf32, #tpu.memory_space<hbm>> -> memref<1000000x16xf32, #tpu.memory_space<hbm>>
    tpu.enqueue_indirect_dma source(%dma_start3A_120 : memref<1000000x16xf32, #tpu.memory_space<hbm>>) target(%dma_start3A_116 : memref<80x16xf32, #tpu.memory_space<vmem>>) offsets(%dma_start3A_117 : memref<80xi32, #tpu.memory_space<vmem>>) semaphore(%arg8 : memref<!tpu.dma_semaphore, #tpu.memory_space<semaphore_mem>>)
    %add3A_121 = arith.constant 1040 : i32
    %add3A_122 = arith.addi %multiple_of3A_4, %add3A_121 : i32
    %dma_start3A_123 = arith.constant 1040 : i32
    %dma_start3A_124 = arith.constant 0 : i32
    %dma_start3A_125 = tpu.memref_slice %arg6[%dma_start3A_123, %dma_start3A_124] : memref<3200x16xf32, #tpu.memory_space<vmem>> -> memref<80x16xf32, #tpu.memory_space<vmem>>
    %dma_start3A_126 = tpu.memref_slice %arg5[%add3A_122] : memref<25600xi32, #tpu.memory_space<vmem>> -> memref<80xi32, #tpu.memory_space<vmem>>
    %dma_start3A_127 = arith.constant 0 : i32
    %dma_start3A_128 = arith.constant 0 : i32
    %dma_start3A_129 = tpu.memref_slice %arg2[%dma_start3A_127, %dma_start3A_128] : memref<1000000x16xf32, #tpu.memory_space<hbm>> -> memref<1000000x16xf32, #tpu.memory_space<hbm>>
    tpu.enqueue_indirect_dma source(%dma_start3A_129 : memref<1000000x16xf32, #tpu.memory_space<hbm>>) target(%dma_start3A_125 : memref<80x16xf32, #tpu.memory_space<vmem>>) offsets(%dma_start3A_126 : memref<80xi32, #tpu.memory_space<vmem>>) semaphore(%arg8 : memref<!tpu.dma_semaphore, #tpu.memory_space<semaphore_mem>>)
    %add3A_130 = arith.constant 1120 : i32
    %add3A_131 = arith.addi %multiple_of3A_4, %add3A_130 : i32
    %dma_start3A_132 = arith.constant 1120 : i32
    %dma_start3A_133 = arith.constant 0 : i32
    %dma_start3A_134 = tpu.memref_slice %arg6[%dma_start3A_132, %dma_start3A_133] : memref<3200x16xf32, #tpu.memory_space<vmem>> -> memref<80x16xf32, #tpu.memory_space<vmem>>
    %dma_start3A_135 = tpu.memref_slice %arg5[%add3A_131] : memref<25600xi32, #tpu.memory_space<vmem>> -> memref<80xi32, #tpu.memory_space<vmem>>
    %dma_start3A_136 = arith.constant 0 : i32
    %dma_start3A_137 = arith.constant 0 : i32
    %dma_start3A_138 = tpu.memref_slice %arg2[%dma_start3A_136, %dma_start3A_137] : memref<1000000x16xf32, #tpu.memory_space<hbm>> -> memref<1000000x16xf32, #tpu.memory_space<hbm>>
    tpu.enqueue_indirect_dma source(%dma_start3A_138 : memref<1000000x16xf32, #tpu.memory_space<hbm>>) target(%dma_start3A_134 : memref<80x16xf32, #tpu.memory_space<vmem>>) offsets(%dma_start3A_135 : memref<80xi32, #tpu.memory_space<vmem>>) semaphore(%arg8 : memref<!tpu.dma_semaphore, #tpu.memory_space<semaphore_mem>>)
    %add3A_139 = arith.constant 1200 : i32
    %add3A_140 = arith.addi %multiple_of3A_4, %add3A_139 : i32
    %dma_start3A_141 = arith.constant 1200 : i32
    %dma_start3A_142 = arith.constant 0 : i32
    %dma_start3A_143 = tpu.memref_slice %arg6[%dma_start3A_141, %dma_start3A_142] : memref<3200x16xf32, #tpu.memory_space<vmem>> -> memref<80x16xf32, #tpu.memory_space<vmem>>
    %dma_start3A_144 = tpu.memref_slice %arg5[%add3A_140] : memref<25600xi32, #tpu.memory_space<vmem>> -> memref<80xi32, #tpu.memory_space<vmem>>
    %dma_start3A_145 = arith.constant 0 : i32
    %dma_start3A_146 = arith.constant 0 : i32
    %dma_start3A_147 = tpu.memref_slice %arg2[%dma_start3A_145, %dma_start3A_146] : memref<1000000x16xf32, #tpu.memory_space<hbm>> -> memref<1000000x16xf32, #tpu.memory_space<hbm>>
    tpu.enqueue_indirect_dma source(%dma_start3A_147 : memref<1000000x16xf32, #tpu.memory_space<hbm>>) target(%dma_start3A_143 : memref<80x16xf32, #tpu.memory_space<vmem>>) offsets(%dma_start3A_144 : memref<80xi32, #tpu.memory_space<vmem>>) semaphore(%arg8 : memref<!tpu.dma_semaphore, #tpu.memory_space<semaphore_mem>>)
    %add3A_148 = arith.constant 1280 : i32
    %add3A_149 = arith.addi %multiple_of3A_4, %add3A_148 : i32
    %dma_start3A_150 = arith.constant 1280 : i32
    %dma_start3A_151 = arith.constant 0 : i32
    %dma_start3A_152 = tpu.memref_slice %arg6[%dma_start3A_150, %dma_start3A_151] : memref<3200x16xf32, #tpu.memory_space<vmem>> -> memref<80x16xf32, #tpu.memory_space<vmem>>
    %dma_start3A_153 = tpu.memref_slice %arg5[%add3A_149] : memref<25600xi32, #tpu.memory_space<vmem>> -> memref<80xi32, #tpu.memory_space<vmem>>
    %dma_start3A_154 = arith.constant 0 : i32
    %dma_start3A_155 = arith.constant 0 : i32
    %dma_start3A_156 = tpu.memref_slice %arg2[%dma_start3A_154, %dma_start3A_155] : memref<1000000x16xf32, #tpu.memory_space<hbm>> -> memref<1000000x16xf32, #tpu.memory_space<hbm>>
    tpu.enqueue_indirect_dma source(%dma_start3A_156 : memref<1000000x16xf32, #tpu.memory_space<hbm>>) target(%dma_start3A_152 : memref<80x16xf32, #tpu.memory_space<vmem>>) offsets(%dma_start3A_153 : memref<80xi32, #tpu.memory_space<vmem>>) semaphore(%arg8 : memref<!tpu.dma_semaphore, #tpu.memory_space<semaphore_mem>>)
    %add3A_157 = arith.constant 1360 : i32
    %add3A_158 = arith.addi %multiple_of3A_4, %add3A_157 : i32
    %dma_start3A_159 = arith.constant 1360 : i32
    %dma_start3A_160 = arith.constant 0 : i32
    %dma_start3A_161 = tpu.memref_slice %arg6[%dma_start3A_159, %dma_start3A_160] : memref<3200x16xf32, #tpu.memory_space<vmem>> -> memref<80x16xf32, #tpu.memory_space<vmem>>
    %dma_start3A_162 = tpu.memref_slice %arg5[%add3A_158] : memref<25600xi32, #tpu.memory_space<vmem>> -> memref<80xi32, #tpu.memory_space<vmem>>
    %dma_start3A_163 = arith.constant 0 : i32
    %dma_start3A_164 = arith.constant 0 : i32
    %dma_start3A_165 = tpu.memref_slice %arg2[%dma_start3A_163, %dma_start3A_164] : memref<1000000x16xf32, #tpu.memory_space<hbm>> -> memref<1000000x16xf32, #tpu.memory_space<hbm>>
    tpu.enqueue_indirect_dma source(%dma_start3A_165 : memref<1000000x16xf32, #tpu.memory_space<hbm>>) target(%dma_start3A_161 : memref<80x16xf32, #tpu.memory_space<vmem>>) offsets(%dma_start3A_162 : memref<80xi32, #tpu.memory_space<vmem>>) semaphore(%arg8 : memref<!tpu.dma_semaphore, #tpu.memory_space<semaphore_mem>>)
    %add3A_166 = arith.constant 1440 : i32
    %add3A_167 = arith.addi %multiple_of3A_4, %add3A_166 : i32
    %dma_start3A_168 = arith.constant 1440 : i32
    %dma_start3A_169 = arith.constant 0 : i32
    %dma_start3A_170 = tpu.memref_slice %arg6[%dma_start3A_168, %dma_start3A_169] : memref<3200x16xf32, #tpu.memory_space<vmem>> -> memref<80x16xf32, #tpu.memory_space<vmem>>
    %dma_start3A_171 = tpu.memref_slice %arg5[%add3A_167] : memref<25600xi32, #tpu.memory_space<vmem>> -> memref<80xi32, #tpu.memory_space<vmem>>
    %dma_start3A_172 = arith.constant 0 : i32
    %dma_start3A_173 = arith.constant 0 : i32
    %dma_start3A_174 = tpu.memref_slice %arg2[%dma_start3A_172, %dma_start3A_173] : memref<1000000x16xf32, #tpu.memory_space<hbm>> -> memref<1000000x16xf32, #tpu.memory_space<hbm>>
    tpu.enqueue_indirect_dma source(%dma_start3A_174 : memref<1000000x16xf32, #tpu.memory_space<hbm>>) target(%dma_start3A_170 : memref<80x16xf32, #tpu.memory_space<vmem>>) offsets(%dma_start3A_171 : memref<80xi32, #tpu.memory_space<vmem>>) semaphore(%arg8 : memref<!tpu.dma_semaphore, #tpu.memory_space<semaphore_mem>>)
    %add3A_175 = arith.constant 1520 : i32
    %add3A_176 = arith.addi %multiple_of3A_4, %add3A_175 : i32
    %dma_start3A_177 = arith.constant 1520 : i32
    %dma_start3A_178 = arith.constant 0 : i32
    %dma_start3A_179 = tpu.memref_slice %arg6[%dma_start3A_177, %dma_start3A_178] : memref<3200x16xf32, #tpu.memory_space<vmem>> -> memref<80x16xf32, #tpu.memory_space<vmem>>
    %dma_start3A_180 = tpu.memref_slice %arg5[%add3A_176] : memref<25600xi32, #tpu.memory_space<vmem>> -> memref<80xi32, #tpu.memory_space<vmem>>
    %dma_start3A_181 = arith.constant 0 : i32
    %dma_start3A_182 = arith.constant 0 : i32
    %dma_start3A_183 = tpu.memref_slice %arg2[%dma_start3A_181, %dma_start3A_182] : memref<1000000x16xf32, #tpu.memory_space<hbm>> -> memref<1000000x16xf32, #tpu.memory_space<hbm>>
    tpu.enqueue_indirect_dma source(%dma_start3A_183 : memref<1000000x16xf32, #tpu.memory_space<hbm>>) target(%dma_start3A_179 : memref<80x16xf32, #tpu.memory_space<vmem>>) offsets(%dma_start3A_180 : memref<80xi32, #tpu.memory_space<vmem>>) semaphore(%arg8 : memref<!tpu.dma_semaphore, #tpu.memory_space<semaphore_mem>>)
    %scan3A = arith.constant 0 : i32
    %scan3A_184 = arith.constant 0 : i32
    %scan3A_185 = arith.constant 8 : i32
    %scan3A_186 = arith.addi %scan3A_184, %scan3A_185 : i32
    %scan3A_187 = arith.constant 1 : i32
    scf.for %scan3A_189 = %scan3A_184 to %scan3A_186 step %scan3A_187  : i32 {
      %mul3A_190 = arith.constant 2 : i32
      %mul3A_191 = arith.muli %mul3A_190, %scan3A_189 : i32
      %add3A_192 = arith.constant 1 : i32
      %add3A_193 = arith.addi %mul3A_191, %add3A_192 : i32
      %mul3A_194 = arith.constant 1600 : i32
      %mul3A_195 = arith.muli %add3A_193, %mul3A_194 : i32
      %multiple_of3A_196 = tpu.assume_multiple %mul3A_195, 1600 : i32
      %add3A_197 = arith.constant 0 : i32
      %add3A_198 = arith.addi %multiple_of3A_196, %add3A_197 : i32
      %dma_start3A_199 = arith.constant 1600 : i32
      %dma_start3A_200 = arith.constant 0 : i32
      %dma_start3A_201 = tpu.memref_slice %arg6[%dma_start3A_199, %dma_start3A_200] : memref<3200x16xf32, #tpu.memory_space<vmem>> -> memref<80x16xf32, #tpu.memory_space<vmem>>
      %dma_start3A_202 = tpu.memref_slice %arg5[%add3A_198] : memref<25600xi32, #tpu.memory_space<vmem>> -> memref<80xi32, #tpu.memory_space<vmem>>
      %dma_start3A_203 = arith.constant 0 : i32
      %dma_start3A_204 = arith.constant 0 : i32
      %dma_start3A_205 = tpu.memref_slice %arg2[%dma_start3A_203, %dma_start3A_204] : memref<1000000x16xf32, #tpu.memory_space<hbm>> -> memref<1000000x16xf32, #tpu.memory_space<hbm>>
      tpu.enqueue_indirect_dma source(%dma_start3A_205 : memref<1000000x16xf32, #tpu.memory_space<hbm>>) target(%dma_start3A_201 : memref<80x16xf32, #tpu.memory_space<vmem>>) offsets(%dma_start3A_202 : memref<80xi32, #tpu.memory_space<vmem>>) semaphore(%arg9 : memref<!tpu.dma_semaphore, #tpu.memory_space<semaphore_mem>>)
      %add3A_206 = arith.constant 80 : i32
      %add3A_207 = arith.addi %multiple_of3A_196, %add3A_206 : i32
      %dma_start3A_208 = arith.constant 1680 : i32
      %dma_start3A_209 = arith.constant 0 : i32
      %dma_start3A_210 = tpu.memref_slice %arg6[%dma_start3A_208, %dma_start3A_209] : memref<3200x16xf32, #tpu.memory_space<vmem>> -> memref<80x16xf32, #tpu.memory_space<vmem>>
      %dma_start3A_211 = tpu.memref_slice %arg5[%add3A_207] : memref<25600xi32, #tpu.memory_space<vmem>> -> memref<80xi32, #tpu.memory_space<vmem>>
      %dma_start3A_212 = arith.constant 0 : i32
      %dma_start3A_213 = arith.constant 0 : i32
      %dma_start3A_214 = tpu.memref_slice %arg2[%dma_start3A_212, %dma_start3A_213] : memref<1000000x16xf32, #tpu.memory_space<hbm>> -> memref<1000000x16xf32, #tpu.memory_space<hbm>>
      tpu.enqueue_indirect_dma source(%dma_start3A_214 : memref<1000000x16xf32, #tpu.memory_space<hbm>>) target(%dma_start3A_210 : memref<80x16xf32, #tpu.memory_space<vmem>>) offsets(%dma_start3A_211 : memref<80xi32, #tpu.memory_space<vmem>>) semaphore(%arg9 : memref<!tpu.dma_semaphore, #tpu.memory_space<semaphore_mem>>)
      %add3A_215 = arith.constant 160 : i32
      %add3A_216 = arith.addi %multiple_of3A_196, %add3A_215 : i32
      %dma_start3A_217 = arith.constant 1760 : i32
      %dma_start3A_218 = arith.constant 0 : i32
      %dma_start3A_219 = tpu.memref_slice %arg6[%dma_start3A_217, %dma_start3A_218] : memref<3200x16xf32, #tpu.memory_space<vmem>> -> memref<80x16xf32, #tpu.memory_space<vmem>>
      %dma_start3A_220 = tpu.memref_slice %arg5[%add3A_216] : memref<25600xi32, #tpu.memory_space<vmem>> -> memref<80xi32, #tpu.memory_space<vmem>>
      %dma_start3A_221 = arith.constant 0 : i32
      %dma_start3A_222 = arith.constant 0 : i32
      %dma_start3A_223 = tpu.memref_slice %arg2[%dma_start3A_221, %dma_start3A_222] : memref<1000000x16xf32, #tpu.memory_space<hbm>> -> memref<1000000x16xf32, #tpu.memory_space<hbm>>
      tpu.enqueue_indirect_dma source(%dma_start3A_223 : memref<1000000x16xf32, #tpu.memory_space<hbm>>) target(%dma_start3A_219 : memref<80x16xf32, #tpu.memory_space<vmem>>) offsets(%dma_start3A_220 : memref<80xi32, #tpu.memory_space<vmem>>) semaphore(%arg9 : memref<!tpu.dma_semaphore, #tpu.memory_space<semaphore_mem>>)
      %add3A_224 = arith.constant 240 : i32
      %add3A_225 = arith.addi %multiple_of3A_196, %add3A_224 : i32
      %dma_start3A_226 = arith.constant 1840 : i32
      %dma_start3A_227 = arith.constant 0 : i32
      %dma_start3A_228 = tpu.memref_slice %arg6[%dma_start3A_226, %dma_start3A_227] : memref<3200x16xf32, #tpu.memory_space<vmem>> -> memref<80x16xf32, #tpu.memory_space<vmem>>
      %dma_start3A_229 = tpu.memref_slice %arg5[%add3A_225] : memref<25600xi32, #tpu.memory_space<vmem>> -> memref<80xi32, #tpu.memory_space<vmem>>
      %dma_start3A_230 = arith.constant 0 : i32
      %dma_start3A_231 = arith.constant 0 : i32
      %dma_start3A_232 = tpu.memref_slice %arg2[%dma_start3A_230, %dma_start3A_231] : memref<1000000x16xf32, #tpu.memory_space<hbm>> -> memref<1000000x16xf32, #tpu.memory_space<hbm>>
      tpu.enqueue_indirect_dma source(%dma_start3A_232 : memref<1000000x16xf32, #tpu.memory_space<hbm>>) target(%dma_start3A_228 : memref<80x16xf32, #tpu.memory_space<vmem>>) offsets(%dma_start3A_229 : memref<80xi32, #tpu.memory_space<vmem>>) semaphore(%arg9 : memref<!tpu.dma_semaphore, #tpu.memory_space<semaphore_mem>>)
      %add3A_233 = arith.constant 320 : i32
      %add3A_234 = arith.addi %multiple_of3A_196, %add3A_233 : i32
      %dma_start3A_235 = arith.constant 1920 : i32
      %dma_start3A_236 = arith.constant 0 : i32
      %dma_start3A_237 = tpu.memref_slice %arg6[%dma_start3A_235, %dma_start3A_236] : memref<3200x16xf32, #tpu.memory_space<vmem>> -> memref<80x16xf32, #tpu.memory_space<vmem>>
      %dma_start3A_238 = tpu.memref_slice %arg5[%add3A_234] : memref<25600xi32, #tpu.memory_space<vmem>> -> memref<80xi32, #tpu.memory_space<vmem>>
      %dma_start3A_239 = arith.constant 0 : i32
      %dma_start3A_240 = arith.constant 0 : i32
      %dma_start3A_241 = tpu.memref_slice %arg2[%dma_start3A_239, %dma_start3A_240] : memref<1000000x16xf32, #tpu.memory_space<hbm>> -> memref<1000000x16xf32, #tpu.memory_space<hbm>>
      tpu.enqueue_indirect_dma source(%dma_start3A_241 : memref<1000000x16xf32, #tpu.memory_space<hbm>>) target(%dma_start3A_237 : memref<80x16xf32, #tpu.memory_space<vmem>>) offsets(%dma_start3A_238 : memref<80xi32, #tpu.memory_space<vmem>>) semaphore(%arg9 : memref<!tpu.dma_semaphore, #tpu.memory_space<semaphore_mem>>)
      %add3A_242 = arith.constant 400 : i32
      %add3A_243 = arith.addi %multiple_of3A_196, %add3A_242 : i32
      %dma_start3A_244 = arith.constant 2000 : i32
      %dma_start3A_245 = arith.constant 0 : i32
      %dma_start3A_246 = tpu.memref_slice %arg6[%dma_start3A_244, %dma_start3A_245] : memref<3200x16xf32, #tpu.memory_space<vmem>> -> memref<80x16xf32, #tpu.memory_space<vmem>>
      %dma_start3A_247 = tpu.memref_slice %arg5[%add3A_243] : memref<25600xi32, #tpu.memory_space<vmem>> -> memref<80xi32, #tpu.memory_space<vmem>>
      %dma_start3A_248 = arith.constant 0 : i32
      %dma_start3A_249 = arith.constant 0 : i32
      %dma_start3A_250 = tpu.memref_slice %arg2[%dma_start3A_248, %dma_start3A_249] : memref<1000000x16xf32, #tpu.memory_space<hbm>> -> memref<1000000x16xf32, #tpu.memory_space<hbm>>
      tpu.enqueue_indirect_dma source(%dma_start3A_250 : memref<1000000x16xf32, #tpu.memory_space<hbm>>) target(%dma_start3A_246 : memref<80x16xf32, #tpu.memory_space<vmem>>) offsets(%dma_start3A_247 : memref<80xi32, #tpu.memory_space<vmem>>) semaphore(%arg9 : memref<!tpu.dma_semaphore, #tpu.memory_space<semaphore_mem>>)
      %add3A_251 = arith.constant 480 : i32
      %add3A_252 = arith.addi %multiple_of3A_196, %add3A_251 : i32
      %dma_start3A_253 = arith.constant 2080 : i32
      %dma_start3A_254 = arith.constant 0 : i32
      %dma_start3A_255 = tpu.memref_slice %arg6[%dma_start3A_253, %dma_start3A_254] : memref<3200x16xf32, #tpu.memory_space<vmem>> -> memref<80x16xf32, #tpu.memory_space<vmem>>
      %dma_start3A_256 = tpu.memref_slice %arg5[%add3A_252] : memref<25600xi32, #tpu.memory_space<vmem>> -> memref<80xi32, #tpu.memory_space<vmem>>
      %dma_start3A_257 = arith.constant 0 : i32
      %dma_start3A_258 = arith.constant 0 : i32
      %dma_start3A_259 = tpu.memref_slice %arg2[%dma_start3A_257, %dma_start3A_258] : memref<1000000x16xf32, #tpu.memory_space<hbm>> -> memref<1000000x16xf32, #tpu.memory_space<hbm>>
      tpu.enqueue_indirect_dma source(%dma_start3A_259 : memref<1000000x16xf32, #tpu.memory_space<hbm>>) target(%dma_start3A_255 : memref<80x16xf32, #tpu.memory_space<vmem>>) offsets(%dma_start3A_256 : memref<80xi32, #tpu.memory_space<vmem>>) semaphore(%arg9 : memref<!tpu.dma_semaphore, #tpu.memory_space<semaphore_mem>>)
      %add3A_260 = arith.constant 560 : i32
      %add3A_261 = arith.addi %multiple_of3A_196, %add3A_260 : i32
      %dma_start3A_262 = arith.constant 2160 : i32
      %dma_start3A_263 = arith.constant 0 : i32
      %dma_start3A_264 = tpu.memref_slice %arg6[%dma_start3A_262, %dma_start3A_263] : memref<3200x16xf32, #tpu.memory_space<vmem>> -> memref<80x16xf32, #tpu.memory_space<vmem>>
      %dma_start3A_265 = tpu.memref_slice %arg5[%add3A_261] : memref<25600xi32, #tpu.memory_space<vmem>> -> memref<80xi32, #tpu.memory_space<vmem>>
      %dma_start3A_266 = arith.constant 0 : i32
      %dma_start3A_267 = arith.constant 0 : i32
      %dma_start3A_268 = tpu.memref_slice %arg2[%dma_start3A_266, %dma_start3A_267] : memref<1000000x16xf32, #tpu.memory_space<hbm>> -> memref<1000000x16xf32, #tpu.memory_space<hbm>>
      tpu.enqueue_indirect_dma source(%dma_start3A_268 : memref<1000000x16xf32, #tpu.memory_space<hbm>>) target(%dma_start3A_264 : memref<80x16xf32, #tpu.memory_space<vmem>>) offsets(%dma_start3A_265 : memref<80xi32, #tpu.memory_space<vmem>>) semaphore(%arg9 : memref<!tpu.dma_semaphore, #tpu.memory_space<semaphore_mem>>)
      %add3A_269 = arith.constant 640 : i32
      %add3A_270 = arith.addi %multiple_of3A_196, %add3A_269 : i32
      %dma_start3A_271 = arith.constant 2240 : i32
      %dma_start3A_272 = arith.constant 0 : i32
      %dma_start3A_273 = tpu.memref_slice %arg6[%dma_start3A_271, %dma_start3A_272] : memref<3200x16xf32, #tpu.memory_space<vmem>> -> memref<80x16xf32, #tpu.memory_space<vmem>>
      %dma_start3A_274 = tpu.memref_slice %arg5[%add3A_270] : memref<25600xi32, #tpu.memory_space<vmem>> -> memref<80xi32, #tpu.memory_space<vmem>>
      %dma_start3A_275 = arith.constant 0 : i32
      %dma_start3A_276 = arith.constant 0 : i32
      %dma_start3A_277 = tpu.memref_slice %arg2[%dma_start3A_275, %dma_start3A_276] : memref<1000000x16xf32, #tpu.memory_space<hbm>> -> memref<1000000x16xf32, #tpu.memory_space<hbm>>
      tpu.enqueue_indirect_dma source(%dma_start3A_277 : memref<1000000x16xf32, #tpu.memory_space<hbm>>) target(%dma_start3A_273 : memref<80x16xf32, #tpu.memory_space<vmem>>) offsets(%dma_start3A_274 : memref<80xi32, #tpu.memory_space<vmem>>) semaphore(%arg9 : memref<!tpu.dma_semaphore, #tpu.memory_space<semaphore_mem>>)
      %add3A_278 = arith.constant 720 : i32
      %add3A_279 = arith.addi %multiple_of3A_196, %add3A_278 : i32
      %dma_start3A_280 = arith.constant 2320 : i32
      %dma_start3A_281 = arith.constant 0 : i32
      %dma_start3A_282 = tpu.memref_slice %arg6[%dma_start3A_280, %dma_start3A_281] : memref<3200x16xf32, #tpu.memory_space<vmem>> -> memref<80x16xf32, #tpu.memory_space<vmem>>
      %dma_start3A_283 = tpu.memref_slice %arg5[%add3A_279] : memref<25600xi32, #tpu.memory_space<vmem>> -> memref<80xi32, #tpu.memory_space<vmem>>
      %dma_start3A_284 = arith.constant 0 : i32
      %dma_start3A_285 = arith.constant 0 : i32
      %dma_start3A_286 = tpu.memref_slice %arg2[%dma_start3A_284, %dma_start3A_285] : memref<1000000x16xf32, #tpu.memory_space<hbm>> -> memref<1000000x16xf32, #tpu.memory_space<hbm>>
      tpu.enqueue_indirect_dma source(%dma_start3A_286 : memref<1000000x16xf32, #tpu.memory_space<hbm>>) target(%dma_start3A_282 : memref<80x16xf32, #tpu.memory_space<vmem>>) offsets(%dma_start3A_283 : memref<80xi32, #tpu.memory_space<vmem>>) semaphore(%arg9 : memref<!tpu.dma_semaphore, #tpu.memory_space<semaphore_mem>>)
      %add3A_287 = arith.constant 800 : i32
      %add3A_288 = arith.addi %multiple_of3A_196, %add3A_287 : i32
      %dma_start3A_289 = arith.constant 2400 : i32
      %dma_start3A_290 = arith.constant 0 : i32
      %dma_start3A_291 = tpu.memref_slice %arg6[%dma_start3A_289, %dma_start3A_290] : memref<3200x16xf32, #tpu.memory_space<vmem>> -> memref<80x16xf32, #tpu.memory_space<vmem>>
      %dma_start3A_292 = tpu.memref_slice %arg5[%add3A_288] : memref<25600xi32, #tpu.memory_space<vmem>> -> memref<80xi32, #tpu.memory_space<vmem>>
      %dma_start3A_293 = arith.constant 0 : i32
      %dma_start3A_294 = arith.constant 0 : i32
      %dma_start3A_295 = tpu.memref_slice %arg2[%dma_start3A_293, %dma_start3A_294] : memref<1000000x16xf32, #tpu.memory_space<hbm>> -> memref<1000000x16xf32, #tpu.memory_space<hbm>>
      tpu.enqueue_indirect_dma source(%dma_start3A_295 : memref<1000000x16xf32, #tpu.memory_space<hbm>>) target(%dma_start3A_291 : memref<80x16xf32, #tpu.memory_space<vmem>>) offsets(%dma_start3A_292 : memref<80xi32, #tpu.memory_space<vmem>>) semaphore(%arg9 : memref<!tpu.dma_semaphore, #tpu.memory_space<semaphore_mem>>)
      %add3A_296 = arith.constant 880 : i32
      %add3A_297 = arith.addi %multiple_of3A_196, %add3A_296 : i32
      %dma_start3A_298 = arith.constant 2480 : i32
      %dma_start3A_299 = arith.constant 0 : i32
      %dma_start3A_300 = tpu.memref_slice %arg6[%dma_start3A_298, %dma_start3A_299] : memref<3200x16xf32, #tpu.memory_space<vmem>> -> memref<80x16xf32, #tpu.memory_space<vmem>>
      %dma_start3A_301 = tpu.memref_slice %arg5[%add3A_297] : memref<25600xi32, #tpu.memory_space<vmem>> -> memref<80xi32, #tpu.memory_space<vmem>>
      %dma_start3A_302 = arith.constant 0 : i32
      %dma_start3A_303 = arith.constant 0 : i32
      %dma_start3A_304 = tpu.memref_slice %arg2[%dma_start3A_302, %dma_start3A_303] : memref<1000000x16xf32, #tpu.memory_space<hbm>> -> memref<1000000x16xf32, #tpu.memory_space<hbm>>
      tpu.enqueue_indirect_dma source(%dma_start3A_304 : memref<1000000x16xf32, #tpu.memory_space<hbm>>) target(%dma_start3A_300 : memref<80x16xf32, #tpu.memory_space<vmem>>) offsets(%dma_start3A_301 : memref<80xi32, #tpu.memory_space<vmem>>) semaphore(%arg9 : memref<!tpu.dma_semaphore, #tpu.memory_space<semaphore_mem>>)
      %add3A_305 = arith.constant 960 : i32
      %add3A_306 = arith.addi %multiple_of3A_196, %add3A_305 : i32
      %dma_start3A_307 = arith.constant 2560 : i32
      %dma_start3A_308 = arith.constant 0 : i32
      %dma_start3A_309 = tpu.memref_slice %arg6[%dma_start3A_307, %dma_start3A_308] : memref<3200x16xf32, #tpu.memory_space<vmem>> -> memref<80x16xf32, #tpu.memory_space<vmem>>
      %dma_start3A_310 = tpu.memref_slice %arg5[%add3A_306] : memref<25600xi32, #tpu.memory_space<vmem>> -> memref<80xi32, #tpu.memory_space<vmem>>
      %dma_start3A_311 = arith.constant 0 : i32
      %dma_start3A_312 = arith.constant 0 : i32
      %dma_start3A_313 = tpu.memref_slice %arg2[%dma_start3A_311, %dma_start3A_312] : memref<1000000x16xf32, #tpu.memory_space<hbm>> -> memref<1000000x16xf32, #tpu.memory_space<hbm>>
      tpu.enqueue_indirect_dma source(%dma_start3A_313 : memref<1000000x16xf32, #tpu.memory_space<hbm>>) target(%dma_start3A_309 : memref<80x16xf32, #tpu.memory_space<vmem>>) offsets(%dma_start3A_310 : memref<80xi32, #tpu.memory_space<vmem>>) semaphore(%arg9 : memref<!tpu.dma_semaphore, #tpu.memory_space<semaphore_mem>>)
      %add3A_314 = arith.constant 1040 : i32
      %add3A_315 = arith.addi %multiple_of3A_196, %add3A_314 : i32
      %dma_start3A_316 = arith.constant 2640 : i32
      %dma_start3A_317 = arith.constant 0 : i32
      %dma_start3A_318 = tpu.memref_slice %arg6[%dma_start3A_316, %dma_start3A_317] : memref<3200x16xf32, #tpu.memory_space<vmem>> -> memref<80x16xf32, #tpu.memory_space<vmem>>
      %dma_start3A_319 = tpu.memref_slice %arg5[%add3A_315] : memref<25600xi32, #tpu.memory_space<vmem>> -> memref<80xi32, #tpu.memory_space<vmem>>
      %dma_start3A_320 = arith.constant 0 : i32
      %dma_start3A_321 = arith.constant 0 : i32
      %dma_start3A_322 = tpu.memref_slice %arg2[%dma_start3A_320, %dma_start3A_321] : memref<1000000x16xf32, #tpu.memory_space<hbm>> -> memref<1000000x16xf32, #tpu.memory_space<hbm>>
      tpu.enqueue_indirect_dma source(%dma_start3A_322 : memref<1000000x16xf32, #tpu.memory_space<hbm>>) target(%dma_start3A_318 : memref<80x16xf32, #tpu.memory_space<vmem>>) offsets(%dma_start3A_319 : memref<80xi32, #tpu.memory_space<vmem>>) semaphore(%arg9 : memref<!tpu.dma_semaphore, #tpu.memory_space<semaphore_mem>>)
      %add3A_323 = arith.constant 1120 : i32
      %add3A_324 = arith.addi %multiple_of3A_196, %add3A_323 : i32
      %dma_start3A_325 = arith.constant 2720 : i32
      %dma_start3A_326 = arith.constant 0 : i32
      %dma_start3A_327 = tpu.memref_slice %arg6[%dma_start3A_325, %dma_start3A_326] : memref<3200x16xf32, #tpu.memory_space<vmem>> -> memref<80x16xf32, #tpu.memory_space<vmem>>
      %dma_start3A_328 = tpu.memref_slice %arg5[%add3A_324] : memref<25600xi32, #tpu.memory_space<vmem>> -> memref<80xi32, #tpu.memory_space<vmem>>
      %dma_start3A_329 = arith.constant 0 : i32
      %dma_start3A_330 = arith.constant 0 : i32
      %dma_start3A_331 = tpu.memref_slice %arg2[%dma_start3A_329, %dma_start3A_330] : memref<1000000x16xf32, #tpu.memory_space<hbm>> -> memref<1000000x16xf32, #tpu.memory_space<hbm>>
      tpu.enqueue_indirect_dma source(%dma_start3A_331 : memref<1000000x16xf32, #tpu.memory_space<hbm>>) target(%dma_start3A_327 : memref<80x16xf32, #tpu.memory_space<vmem>>) offsets(%dma_start3A_328 : memref<80xi32, #tpu.memory_space<vmem>>) semaphore(%arg9 : memref<!tpu.dma_semaphore, #tpu.memory_space<semaphore_mem>>)
      %add3A_332 = arith.constant 1200 : i32
      %add3A_333 = arith.addi %multiple_of3A_196, %add3A_332 : i32
      %dma_start3A_334 = arith.constant 2800 : i32
      %dma_start3A_335 = arith.constant 0 : i32
      %dma_start3A_336 = tpu.memref_slice %arg6[%dma_start3A_334, %dma_start3A_335] : memref<3200x16xf32, #tpu.memory_space<vmem>> -> memref<80x16xf32, #tpu.memory_space<vmem>>
      %dma_start3A_337 = tpu.memref_slice %arg5[%add3A_333] : memref<25600xi32, #tpu.memory_space<vmem>> -> memref<80xi32, #tpu.memory_space<vmem>>
      %dma_start3A_338 = arith.constant 0 : i32
      %dma_start3A_339 = arith.constant 0 : i32
      %dma_start3A_340 = tpu.memref_slice %arg2[%dma_start3A_338, %dma_start3A_339] : memref<1000000x16xf32, #tpu.memory_space<hbm>> -> memref<1000000x16xf32, #tpu.memory_space<hbm>>
      tpu.enqueue_indirect_dma source(%dma_start3A_340 : memref<1000000x16xf32, #tpu.memory_space<hbm>>) target(%dma_start3A_336 : memref<80x16xf32, #tpu.memory_space<vmem>>) offsets(%dma_start3A_337 : memref<80xi32, #tpu.memory_space<vmem>>) semaphore(%arg9 : memref<!tpu.dma_semaphore, #tpu.memory_space<semaphore_mem>>)
      %add3A_341 = arith.constant 1280 : i32
      %add3A_342 = arith.addi %multiple_of3A_196, %add3A_341 : i32
      %dma_start3A_343 = arith.constant 2880 : i32
      %dma_start3A_344 = arith.constant 0 : i32
      %dma_start3A_345 = tpu.memref_slice %arg6[%dma_start3A_343, %dma_start3A_344] : memref<3200x16xf32, #tpu.memory_space<vmem>> -> memref<80x16xf32, #tpu.memory_space<vmem>>
      %dma_start3A_346 = tpu.memref_slice %arg5[%add3A_342] : memref<25600xi32, #tpu.memory_space<vmem>> -> memref<80xi32, #tpu.memory_space<vmem>>
      %dma_start3A_347 = arith.constant 0 : i32
      %dma_start3A_348 = arith.constant 0 : i32
      %dma_start3A_349 = tpu.memref_slice %arg2[%dma_start3A_347, %dma_start3A_348] : memref<1000000x16xf32, #tpu.memory_space<hbm>> -> memref<1000000x16xf32, #tpu.memory_space<hbm>>
      tpu.enqueue_indirect_dma source(%dma_start3A_349 : memref<1000000x16xf32, #tpu.memory_space<hbm>>) target(%dma_start3A_345 : memref<80x16xf32, #tpu.memory_space<vmem>>) offsets(%dma_start3A_346 : memref<80xi32, #tpu.memory_space<vmem>>) semaphore(%arg9 : memref<!tpu.dma_semaphore, #tpu.memory_space<semaphore_mem>>)
      %add3A_350 = arith.constant 1360 : i32
      %add3A_351 = arith.addi %multiple_of3A_196, %add3A_350 : i32
      %dma_start3A_352 = arith.constant 2960 : i32
      %dma_start3A_353 = arith.constant 0 : i32
      %dma_start3A_354 = tpu.memref_slice %arg6[%dma_start3A_352, %dma_start3A_353] : memref<3200x16xf32, #tpu.memory_space<vmem>> -> memref<80x16xf32, #tpu.memory_space<vmem>>
      %dma_start3A_355 = tpu.memref_slice %arg5[%add3A_351] : memref<25600xi32, #tpu.memory_space<vmem>> -> memref<80xi32, #tpu.memory_space<vmem>>
      %dma_start3A_356 = arith.constant 0 : i32
      %dma_start3A_357 = arith.constant 0 : i32
      %dma_start3A_358 = tpu.memref_slice %arg2[%dma_start3A_356, %dma_start3A_357] : memref<1000000x16xf32, #tpu.memory_space<hbm>> -> memref<1000000x16xf32, #tpu.memory_space<hbm>>
      tpu.enqueue_indirect_dma source(%dma_start3A_358 : memref<1000000x16xf32, #tpu.memory_space<hbm>>) target(%dma_start3A_354 : memref<80x16xf32, #tpu.memory_space<vmem>>) offsets(%dma_start3A_355 : memref<80xi32, #tpu.memory_space<vmem>>) semaphore(%arg9 : memref<!tpu.dma_semaphore, #tpu.memory_space<semaphore_mem>>)
      %add3A_359 = arith.constant 1440 : i32
      %add3A_360 = arith.addi %multiple_of3A_196, %add3A_359 : i32
      %dma_start3A_361 = arith.constant 3040 : i32
      %dma_start3A_362 = arith.constant 0 : i32
      %dma_start3A_363 = tpu.memref_slice %arg6[%dma_start3A_361, %dma_start3A_362] : memref<3200x16xf32, #tpu.memory_space<vmem>> -> memref<80x16xf32, #tpu.memory_space<vmem>>
      %dma_start3A_364 = tpu.memref_slice %arg5[%add3A_360] : memref<25600xi32, #tpu.memory_space<vmem>> -> memref<80xi32, #tpu.memory_space<vmem>>
      %dma_start3A_365 = arith.constant 0 : i32
      %dma_start3A_366 = arith.constant 0 : i32
      %dma_start3A_367 = tpu.memref_slice %arg2[%dma_start3A_365, %dma_start3A_366] : memref<1000000x16xf32, #tpu.memory_space<hbm>> -> memref<1000000x16xf32, #tpu.memory_space<hbm>>
      tpu.enqueue_indirect_dma source(%dma_start3A_367 : memref<1000000x16xf32, #tpu.memory_space<hbm>>) target(%dma_start3A_363 : memref<80x16xf32, #tpu.memory_space<vmem>>) offsets(%dma_start3A_364 : memref<80xi32, #tpu.memory_space<vmem>>) semaphore(%arg9 : memref<!tpu.dma_semaphore, #tpu.memory_space<semaphore_mem>>)
      %add3A_368 = arith.constant 1520 : i32
      %add3A_369 = arith.addi %multiple_of3A_196, %add3A_368 : i32
      %dma_start3A_370 = arith.constant 3120 : i32
      %dma_start3A_371 = arith.constant 0 : i32
      %dma_start3A_372 = tpu.memref_slice %arg6[%dma_start3A_370, %dma_start3A_371] : memref<3200x16xf32, #tpu.memory_space<vmem>> -> memref<80x16xf32, #tpu.memory_space<vmem>>
      %dma_start3A_373 = tpu.memref_slice %arg5[%add3A_369] : memref<25600xi32, #tpu.memory_space<vmem>> -> memref<80xi32, #tpu.memory_space<vmem>>
      %dma_start3A_374 = arith.constant 0 : i32
      %dma_start3A_375 = arith.constant 0 : i32
      %dma_start3A_376 = tpu.memref_slice %arg2[%dma_start3A_374, %dma_start3A_375] : memref<1000000x16xf32, #tpu.memory_space<hbm>> -> memref<1000000x16xf32, #tpu.memory_space<hbm>>
      tpu.enqueue_indirect_dma source(%dma_start3A_376 : memref<1000000x16xf32, #tpu.memory_space<hbm>>) target(%dma_start3A_372 : memref<80x16xf32, #tpu.memory_space<vmem>>) offsets(%dma_start3A_373 : memref<80xi32, #tpu.memory_space<vmem>>) semaphore(%arg9 : memref<!tpu.dma_semaphore, #tpu.memory_space<semaphore_mem>>)
      %dma_wait3A = arith.constant 0 : i32
      %dma_wait3A_377 = arith.constant 0 : i32
      %dma_wait3A_378 = tpu.memref_slice %arg6[%dma_wait3A, %dma_wait3A_377] : memref<3200x16xf32, #tpu.memory_space<vmem>> -> memref<1600x16xf32, #tpu.memory_space<vmem>>
      %dma_wait3A_379 = arith.constant 0 : i32
      %dma_wait3A_380 = arith.constant 0 : i32
      %dma_wait3A_381 = tpu.memref_slice %arg2[%dma_wait3A_379, %dma_wait3A_380] : memref<1000000x16xf32, #tpu.memory_space<hbm>> -> memref<1600x16xf32, #tpu.memory_space<hbm>>
      %dma_wait3A_382 = arith.constant 0 : i32
      %dma_wait3A_383 = arith.constant 0 : i32
      %dma_wait3A_384 = tpu.memref_slice %arg6[%dma_wait3A_382, %dma_wait3A_383] : memref<3200x16xf32, #tpu.memory_space<vmem>> -> memref<1600x16xf32, #tpu.memory_space<vmem>>
      %dma_wait3A_385 = arith.constant 0 : i32
      %dma_wait3A_386 = arith.constant 0 : i32
      %dma_wait3A_387 = tpu.memref_slice %arg2[%dma_wait3A_385, %dma_wait3A_386] : memref<1000000x16xf32, #tpu.memory_space<hbm>> -> memref<1600x16xf32, #tpu.memory_space<hbm>>
      tpu.wait_dma2 semaphore(%arg8 : memref<!tpu.dma_semaphore, #tpu.memory_space<semaphore_mem>>) src(%dma_wait3A_387 : memref<1600x16xf32, #tpu.memory_space<hbm>>) dst(%dma_wait3A_384 : memref<1600x16xf32, #tpu.memory_space<vmem>>)
      %scan3A_388 = arith.constant 0 : i32
      %scan3A_389 = arith.constant 0 : i32
      %scan3A_390 = arith.constant 32 : i32
      %scan3A_391 = arith.addi %scan3A_389, %scan3A_390 : i32
      %scan3A_392 = arith.constant 1 : i32
      scf.for %scan3A_428 = %scan3A_389 to %scan3A_391 step %scan3A_392  : i32 {
        %mul3A_429 = arith.constant 50 : i32
        %mul3A_430 = arith.muli %scan3A_428, %mul3A_429 : i32
        %add3A_431 = arith.constant 0 : i32
        %add3A_432 = arith.addi %add3A_431, %mul3A_430 : i32
        %add3A_433 = arith.constant 0 : i32
        %add3A_434 = arith.addi %add3A_432, %add3A_433 : i32
        %get3A = arith.index_cast %add3A_434 : i32 to index
        %get3A_435 = arith.constant 0 : index
        %get3A_436 = tpu.vector_load %arg6[%get3A, %get3A_435] {strides = array<i32>} : memref<3200x16xf32, #tpu.memory_space<vmem>>, vector<1x16xf32>,
        %get3A_437 = vector.shape_cast %get3A_436 : vector<1x16xf32> to vector<16xf32>
        %add3A_438 = arith.constant 1 : i32
        %add3A_439 = arith.addi %add3A_432, %add3A_438 : i32
        %get3A_440 = arith.index_cast %add3A_439 : i32 to index
        %get3A_441 = arith.constant 0 : index
        %get3A_442 = tpu.vector_load %arg6[%get3A_440, %get3A_441] {strides = array<i32>} : memref<3200x16xf32, #tpu.memory_space<vmem>>, vector<1x16xf32>,
        %get3A_443 = vector.shape_cast %get3A_442 : vector<1x16xf32> to vector<16xf32>
        %add3A_444 = arith.constant 2 : i32
        %add3A_445 = arith.addi %add3A_432, %add3A_444 : i32
        %get3A_446 = arith.index_cast %add3A_445 : i32 to index
        %get3A_447 = arith.constant 0 : index
        %get3A_448 = tpu.vector_load %arg6[%get3A_446, %get3A_447] {strides = array<i32>} : memref<3200x16xf32, #tpu.memory_space<vmem>>, vector<1x16xf32>,
        %get3A_449 = vector.shape_cast %get3A_448 : vector<1x16xf32> to vector<16xf32>
        %add3A_450 = arith.constant 3 : i32
        %add3A_451 = arith.addi %add3A_432, %add3A_450 : i32
        %get3A_452 = arith.index_cast %add3A_451 : i32 to index
        %get3A_453 = arith.constant 0 : index
        %get3A_454 = tpu.vector_load %arg6[%get3A_452, %get3A_453] {strides = array<i32>} : memref<3200x16xf32, #tpu.memory_space<vmem>>, vector<1x16xf32>,
        %get3A_455 = vector.shape_cast %get3A_454 : vector<1x16xf32> to vector<16xf32>
        %add3A_456 = arith.constant 4 : i32
        %add3A_457 = arith.addi %add3A_432, %add3A_456 : i32
        %get3A_458 = arith.index_cast %add3A_457 : i32 to index
        %get3A_459 = arith.constant 0 : index
        %get3A_460 = tpu.vector_load %arg6[%get3A_458, %get3A_459] {strides = array<i32>} : memref<3200x16xf32, #tpu.memory_space<vmem>>, vector<1x16xf32>,
        %get3A_461 = vector.shape_cast %get3A_460 : vector<1x16xf32> to vector<16xf32>
        %add3A_462 = arith.constant 5 : i32
        %add3A_463 = arith.addi %add3A_432, %add3A_462 : i32
        %get3A_464 = arith.index_cast %add3A_463 : i32 to index
        %get3A_465 = arith.constant 0 : index
        %get3A_466 = tpu.vector_load %arg6[%get3A_464, %get3A_465] {strides = array<i32>} : memref<3200x16xf32, #tpu.memory_space<vmem>>, vector<1x16xf32>,
        %get3A_467 = vector.shape_cast %get3A_466 : vector<1x16xf32> to vector<16xf32>
        %add3A_468 = arith.constant 6 : i32
        %add3A_469 = arith.addi %add3A_432, %add3A_468 : i32
        %get3A_470 = arith.index_cast %add3A_469 : i32 to index
        %get3A_471 = arith.constant 0 : index
        %get3A_472 = tpu.vector_load %arg6[%get3A_470, %get3A_471] {strides = array<i32>} : memref<3200x16xf32, #tpu.memory_space<vmem>>, vector<1x16xf32>,
        %get3A_473 = vector.shape_cast %get3A_472 : vector<1x16xf32> to vector<16xf32>
        %add3A_474 = arith.constant 7 : i32
        %add3A_475 = arith.addi %add3A_432, %add3A_474 : i32
        %get3A_476 = arith.index_cast %add3A_475 : i32 to index
        %get3A_477 = arith.constant 0 : index
        %get3A_478 = tpu.vector_load %arg6[%get3A_476, %get3A_477] {strides = array<i32>} : memref<3200x16xf32, #tpu.memory_space<vmem>>, vector<1x16xf32>,
        %get3A_479 = vector.shape_cast %get3A_478 : vector<1x16xf32> to vector<16xf32>
        %add3A_480 = arith.constant 8 : i32
        %add3A_481 = arith.addi %add3A_432, %add3A_480 : i32
        %get3A_482 = arith.index_cast %add3A_481 : i32 to index
        %get3A_483 = arith.constant 0 : index
        %get3A_484 = tpu.vector_load %arg6[%get3A_482, %get3A_483] {strides = array<i32>} : memref<3200x16xf32, #tpu.memory_space<vmem>>, vector<1x16xf32>,
        %get3A_485 = vector.shape_cast %get3A_484 : vector<1x16xf32> to vector<16xf32>
        %add3A_486 = arith.constant 9 : i32
        %add3A_487 = arith.addi %add3A_432, %add3A_486 : i32
        %get3A_488 = arith.index_cast %add3A_487 : i32 to index
        %get3A_489 = arith.constant 0 : index
        %get3A_490 = tpu.vector_load %arg6[%get3A_488, %get3A_489] {strides = array<i32>} : memref<3200x16xf32, #tpu.memory_space<vmem>>, vector<1x16xf32>,
        %get3A_491 = vector.shape_cast %get3A_490 : vector<1x16xf32> to vector<16xf32>
        %add3A_492 = arith.constant 10 : i32
        %add3A_493 = arith.addi %add3A_432, %add3A_492 : i32
        %get3A_494 = arith.index_cast %add3A_493 : i32 to index
        %get3A_495 = arith.constant 0 : index
        %get3A_496 = tpu.vector_load %arg6[%get3A_494, %get3A_495] {strides = array<i32>} : memref<3200x16xf32, #tpu.memory_space<vmem>>, vector<1x16xf32>,
        %get3A_497 = vector.shape_cast %get3A_496 : vector<1x16xf32> to vector<16xf32>
        %add3A_498 = arith.constant 11 : i32
        %add3A_499 = arith.addi %add3A_432, %add3A_498 : i32
        %get3A_500 = arith.index_cast %add3A_499 : i32 to index
        %get3A_501 = arith.constant 0 : index
        %get3A_502 = tpu.vector_load %arg6[%get3A_500, %get3A_501] {strides = array<i32>} : memref<3200x16xf32, #tpu.memory_space<vmem>>, vector<1x16xf32>,
        %get3A_503 = vector.shape_cast %get3A_502 : vector<1x16xf32> to vector<16xf32>
        %add3A_504 = arith.constant 12 : i32
        %add3A_505 = arith.addi %add3A_432, %add3A_504 : i32
        %get3A_506 = arith.index_cast %add3A_505 : i32 to index
        %get3A_507 = arith.constant 0 : index
        %get3A_508 = tpu.vector_load %arg6[%get3A_506, %get3A_507] {strides = array<i32>} : memref<3200x16xf32, #tpu.memory_space<vmem>>, vector<1x16xf32>,
        %get3A_509 = vector.shape_cast %get3A_508 : vector<1x16xf32> to vector<16xf32>
        %add3A_510 = arith.constant 13 : i32
        %add3A_511 = arith.addi %add3A_432, %add3A_510 : i32
        %get3A_512 = arith.index_cast %add3A_511 : i32 to index
        %get3A_513 = arith.constant 0 : index
        %get3A_514 = tpu.vector_load %arg6[%get3A_512, %get3A_513] {strides = array<i32>} : memref<3200x16xf32, #tpu.memory_space<vmem>>, vector<1x16xf32>,
        %get3A_515 = vector.shape_cast %get3A_514 : vector<1x16xf32> to vector<16xf32>
        %add3A_516 = arith.constant 14 : i32
        %add3A_517 = arith.addi %add3A_432, %add3A_516 : i32
        %get3A_518 = arith.index_cast %add3A_517 : i32 to index
        %get3A_519 = arith.constant 0 : index
        %get3A_520 = tpu.vector_load %arg6[%get3A_518, %get3A_519] {strides = array<i32>} : memref<3200x16xf32, #tpu.memory_space<vmem>>, vector<1x16xf32>,
        %get3A_521 = vector.shape_cast %get3A_520 : vector<1x16xf32> to vector<16xf32>
        %add3A_522 = arith.constant 15 : i32
        %add3A_523 = arith.addi %add3A_432, %add3A_522 : i32
        %get3A_524 = arith.index_cast %add3A_523 : i32 to index
        %get3A_525 = arith.constant 0 : index
        %get3A_526 = tpu.vector_load %arg6[%get3A_524, %get3A_525] {strides = array<i32>} : memref<3200x16xf32, #tpu.memory_space<vmem>>, vector<1x16xf32>,
        %get3A_527 = vector.shape_cast %get3A_526 : vector<1x16xf32> to vector<16xf32>
        %add3A_528 = arith.constant 16 : i32
        %add3A_529 = arith.addi %add3A_432, %add3A_528 : i32
        %get3A_530 = arith.index_cast %add3A_529 : i32 to index
        %get3A_531 = arith.constant 0 : index
        %get3A_532 = tpu.vector_load %arg6[%get3A_530, %get3A_531] {strides = array<i32>} : memref<3200x16xf32, #tpu.memory_space<vmem>>, vector<1x16xf32>,
        %get3A_533 = vector.shape_cast %get3A_532 : vector<1x16xf32> to vector<16xf32>
        %add3A_534 = arith.constant 17 : i32
        %add3A_535 = arith.addi %add3A_432, %add3A_534 : i32
        %get3A_536 = arith.index_cast %add3A_535 : i32 to index
        %get3A_537 = arith.constant 0 : index
        %get3A_538 = tpu.vector_load %arg6[%get3A_536, %get3A_537] {strides = array<i32>} : memref<3200x16xf32, #tpu.memory_space<vmem>>, vector<1x16xf32>,
        %get3A_539 = vector.shape_cast %get3A_538 : vector<1x16xf32> to vector<16xf32>
        %add3A_540 = arith.constant 18 : i32
        %add3A_541 = arith.addi %add3A_432, %add3A_540 : i32
        %get3A_542 = arith.index_cast %add3A_541 : i32 to index
        %get3A_543 = arith.constant 0 : index
        %get3A_544 = tpu.vector_load %arg6[%get3A_542, %get3A_543] {strides = array<i32>} : memref<3200x16xf32, #tpu.memory_space<vmem>>, vector<1x16xf32>,
        %get3A_545 = vector.shape_cast %get3A_544 : vector<1x16xf32> to vector<16xf32>
        %add3A_546 = arith.constant 19 : i32
        %add3A_547 = arith.addi %add3A_432, %add3A_546 : i32
        %get3A_548 = arith.index_cast %add3A_547 : i32 to index
        %get3A_549 = arith.constant 0 : index
        %get3A_550 = tpu.vector_load %arg6[%get3A_548, %get3A_549] {strides = array<i32>} : memref<3200x16xf32, #tpu.memory_space<vmem>>, vector<1x16xf32>,
        %get3A_551 = vector.shape_cast %get3A_550 : vector<1x16xf32> to vector<16xf32>
        %add3A_552 = arith.constant 20 : i32
        %add3A_553 = arith.addi %add3A_432, %add3A_552 : i32
        %get3A_554 = arith.index_cast %add3A_553 : i32 to index
        %get3A_555 = arith.constant 0 : index
        %get3A_556 = tpu.vector_load %arg6[%get3A_554, %get3A_555] {strides = array<i32>} : memref<3200x16xf32, #tpu.memory_space<vmem>>, vector<1x16xf32>,
        %get3A_557 = vector.shape_cast %get3A_556 : vector<1x16xf32> to vector<16xf32>
        %add3A_558 = arith.constant 21 : i32
        %add3A_559 = arith.addi %add3A_432, %add3A_558 : i32
        %get3A_560 = arith.index_cast %add3A_559 : i32 to index
        %get3A_561 = arith.constant 0 : index
        %get3A_562 = tpu.vector_load %arg6[%get3A_560, %get3A_561] {strides = array<i32>} : memref<3200x16xf32, #tpu.memory_space<vmem>>, vector<1x16xf32>,
        %get3A_563 = vector.shape_cast %get3A_562 : vector<1x16xf32> to vector<16xf32>
        %add3A_564 = arith.constant 22 : i32
        %add3A_565 = arith.addi %add3A_432, %add3A_564 : i32
        %get3A_566 = arith.index_cast %add3A_565 : i32 to index
        %get3A_567 = arith.constant 0 : index
        %get3A_568 = tpu.vector_load %arg6[%get3A_566, %get3A_567] {strides = array<i32>} : memref<3200x16xf32, #tpu.memory_space<vmem>>, vector<1x16xf32>,
        %get3A_569 = vector.shape_cast %get3A_568 : vector<1x16xf32> to vector<16xf32>
        %add3A_570 = arith.constant 23 : i32
        %add3A_571 = arith.addi %add3A_432, %add3A_570 : i32
        %get3A_572 = arith.index_cast %add3A_571 : i32 to index
        %get3A_573 = arith.constant 0 : index
        %get3A_574 = tpu.vector_load %arg6[%get3A_572, %get3A_573] {strides = array<i32>} : memref<3200x16xf32, #tpu.memory_space<vmem>>, vector<1x16xf32>,
        %get3A_575 = vector.shape_cast %get3A_574 : vector<1x16xf32> to vector<16xf32>
        %add3A_576 = arith.constant 24 : i32
        %add3A_577 = arith.addi %add3A_432, %add3A_576 : i32
        %get3A_578 = arith.index_cast %add3A_577 : i32 to index
        %get3A_579 = arith.constant 0 : index
        %get3A_580 = tpu.vector_load %arg6[%get3A_578, %get3A_579] {strides = array<i32>} : memref<3200x16xf32, #tpu.memory_space<vmem>>, vector<1x16xf32>,
        %get3A_581 = vector.shape_cast %get3A_580 : vector<1x16xf32> to vector<16xf32>
        %add3A_582 = arith.constant 25 : i32
        %add3A_583 = arith.addi %add3A_432, %add3A_582 : i32
        %get3A_584 = arith.index_cast %add3A_583 : i32 to index
        %get3A_585 = arith.constant 0 : index
        %get3A_586 = tpu.vector_load %arg6[%get3A_584, %get3A_585] {strides = array<i32>} : memref<3200x16xf32, #tpu.memory_space<vmem>>, vector<1x16xf32>,
        %get3A_587 = vector.shape_cast %get3A_586 : vector<1x16xf32> to vector<16xf32>
        %add3A_588 = arith.constant 26 : i32
        %add3A_589 = arith.addi %add3A_432, %add3A_588 : i32
        %get3A_590 = arith.index_cast %add3A_589 : i32 to index
        %get3A_591 = arith.constant 0 : index
        %get3A_592 = tpu.vector_load %arg6[%get3A_590, %get3A_591] {strides = array<i32>} : memref<3200x16xf32, #tpu.memory_space<vmem>>, vector<1x16xf32>,
        %get3A_593 = vector.shape_cast %get3A_592 : vector<1x16xf32> to vector<16xf32>
        %add3A_594 = arith.constant 27 : i32
        %add3A_595 = arith.addi %add3A_432, %add3A_594 : i32
        %get3A_596 = arith.index_cast %add3A_595 : i32 to index
        %get3A_597 = arith.constant 0 : index
        %get3A_598 = tpu.vector_load %arg6[%get3A_596, %get3A_597] {strides = array<i32>} : memref<3200x16xf32, #tpu.memory_space<vmem>>, vector<1x16xf32>,
        %get3A_599 = vector.shape_cast %get3A_598 : vector<1x16xf32> to vector<16xf32>
        %add3A_600 = arith.constant 28 : i32
        %add3A_601 = arith.addi %add3A_432, %add3A_600 : i32
        %get3A_602 = arith.index_cast %add3A_601 : i32 to index
        %get3A_603 = arith.constant 0 : index
        %get3A_604 = tpu.vector_load %arg6[%get3A_602, %get3A_603] {strides = array<i32>} : memref<3200x16xf32, #tpu.memory_space<vmem>>, vector<1x16xf32>,
        %get3A_605 = vector.shape_cast %get3A_604 : vector<1x16xf32> to vector<16xf32>
        %add3A_606 = arith.constant 29 : i32
        %add3A_607 = arith.addi %add3A_432, %add3A_606 : i32
        %get3A_608 = arith.index_cast %add3A_607 : i32 to index
        %get3A_609 = arith.constant 0 : index
        %get3A_610 = tpu.vector_load %arg6[%get3A_608, %get3A_609] {strides = array<i32>} : memref<3200x16xf32, #tpu.memory_space<vmem>>, vector<1x16xf32>,
        %get3A_611 = vector.shape_cast %get3A_610 : vector<1x16xf32> to vector<16xf32>
        %add3A_612 = arith.constant 30 : i32
        %add3A_613 = arith.addi %add3A_432, %add3A_612 : i32
        %get3A_614 = arith.index_cast %add3A_613 : i32 to index
        %get3A_615 = arith.constant 0 : index
        %get3A_616 = tpu.vector_load %arg6[%get3A_614, %get3A_615] {strides = array<i32>} : memref<3200x16xf32, #tpu.memory_space<vmem>>, vector<1x16xf32>,
        %get3A_617 = vector.shape_cast %get3A_616 : vector<1x16xf32> to vector<16xf32>
        %add3A_618 = arith.constant 31 : i32
        %add3A_619 = arith.addi %add3A_432, %add3A_618 : i32
        %get3A_620 = arith.index_cast %add3A_619 : i32 to index
        %get3A_621 = arith.constant 0 : index
        %get3A_622 = tpu.vector_load %arg6[%get3A_620, %get3A_621] {strides = array<i32>} : memref<3200x16xf32, #tpu.memory_space<vmem>>, vector<1x16xf32>,
        %get3A_623 = vector.shape_cast %get3A_622 : vector<1x16xf32> to vector<16xf32>
        %add3A_624 = arith.constant 32 : i32
        %add3A_625 = arith.addi %add3A_432, %add3A_624 : i32
        %get3A_626 = arith.index_cast %add3A_625 : i32 to index
        %get3A_627 = arith.constant 0 : index
        %get3A_628 = tpu.vector_load %arg6[%get3A_626, %get3A_627] {strides = array<i32>} : memref<3200x16xf32, #tpu.memory_space<vmem>>, vector<1x16xf32>,
        %get3A_629 = vector.shape_cast %get3A_628 : vector<1x16xf32> to vector<16xf32>
        %add3A_630 = arith.constant 33 : i32
        %add3A_631 = arith.addi %add3A_432, %add3A_630 : i32
        %get3A_632 = arith.index_cast %add3A_631 : i32 to index
        %get3A_633 = arith.constant 0 : index
        %get3A_634 = tpu.vector_load %arg6[%get3A_632, %get3A_633] {strides = array<i32>} : memref<3200x16xf32, #tpu.memory_space<vmem>>, vector<1x16xf32>,
        %get3A_635 = vector.shape_cast %get3A_634 : vector<1x16xf32> to vector<16xf32>
        %add3A_636 = arith.constant 34 : i32
        %add3A_637 = arith.addi %add3A_432, %add3A_636 : i32
        %get3A_638 = arith.index_cast %add3A_637 : i32 to index
        %get3A_639 = arith.constant 0 : index
        %get3A_640 = tpu.vector_load %arg6[%get3A_638, %get3A_639] {strides = array<i32>} : memref<3200x16xf32, #tpu.memory_space<vmem>>, vector<1x16xf32>,
        %get3A_641 = vector.shape_cast %get3A_640 : vector<1x16xf32> to vector<16xf32>
        %add3A_642 = arith.constant 35 : i32
        %add3A_643 = arith.addi %add3A_432, %add3A_642 : i32
        %get3A_644 = arith.index_cast %add3A_643 : i32 to index
        %get3A_645 = arith.constant 0 : index
        %get3A_646 = tpu.vector_load %arg6[%get3A_644, %get3A_645] {strides = array<i32>} : memref<3200x16xf32, #tpu.memory_space<vmem>>, vector<1x16xf32>,
        %get3A_647 = vector.shape_cast %get3A_646 : vector<1x16xf32> to vector<16xf32>
        %add3A_648 = arith.constant 36 : i32
        %add3A_649 = arith.addi %add3A_432, %add3A_648 : i32
        %get3A_650 = arith.index_cast %add3A_649 : i32 to index
        %get3A_651 = arith.constant 0 : index
        %get3A_652 = tpu.vector_load %arg6[%get3A_650, %get3A_651] {strides = array<i32>} : memref<3200x16xf32, #tpu.memory_space<vmem>>, vector<1x16xf32>,
        %get3A_653 = vector.shape_cast %get3A_652 : vector<1x16xf32> to vector<16xf32>
        %add3A_654 = arith.constant 37 : i32
        %add3A_655 = arith.addi %add3A_432, %add3A_654 : i32
        %get3A_656 = arith.index_cast %add3A_655 : i32 to index
        %get3A_657 = arith.constant 0 : index
        %get3A_658 = tpu.vector_load %arg6[%get3A_656, %get3A_657] {strides = array<i32>} : memref<3200x16xf32, #tpu.memory_space<vmem>>, vector<1x16xf32>,
        %get3A_659 = vector.shape_cast %get3A_658 : vector<1x16xf32> to vector<16xf32>
        %add3A_660 = arith.constant 38 : i32
        %add3A_661 = arith.addi %add3A_432, %add3A_660 : i32
        %get3A_662 = arith.index_cast %add3A_661 : i32 to index
        %get3A_663 = arith.constant 0 : index
        %get3A_664 = tpu.vector_load %arg6[%get3A_662, %get3A_663] {strides = array<i32>} : memref<3200x16xf32, #tpu.memory_space<vmem>>, vector<1x16xf32>,
        %get3A_665 = vector.shape_cast %get3A_664 : vector<1x16xf32> to vector<16xf32>
        %add3A_666 = arith.constant 39 : i32
        %add3A_667 = arith.addi %add3A_432, %add3A_666 : i32
        %get3A_668 = arith.index_cast %add3A_667 : i32 to index
        %get3A_669 = arith.constant 0 : index
        %get3A_670 = tpu.vector_load %arg6[%get3A_668, %get3A_669] {strides = array<i32>} : memref<3200x16xf32, #tpu.memory_space<vmem>>, vector<1x16xf32>,
        %get3A_671 = vector.shape_cast %get3A_670 : vector<1x16xf32> to vector<16xf32>
        %add3A_672 = arith.constant 40 : i32
        %add3A_673 = arith.addi %add3A_432, %add3A_672 : i32
        %get3A_674 = arith.index_cast %add3A_673 : i32 to index
        %get3A_675 = arith.constant 0 : index
        %get3A_676 = tpu.vector_load %arg6[%get3A_674, %get3A_675] {strides = array<i32>} : memref<3200x16xf32, #tpu.memory_space<vmem>>, vector<1x16xf32>,
        %get3A_677 = vector.shape_cast %get3A_676 : vector<1x16xf32> to vector<16xf32>
        %add3A_678 = arith.constant 41 : i32
        %add3A_679 = arith.addi %add3A_432, %add3A_678 : i32
        %get3A_680 = arith.index_cast %add3A_679 : i32 to index
        %get3A_681 = arith.constant 0 : index
        %get3A_682 = tpu.vector_load %arg6[%get3A_680, %get3A_681] {strides = array<i32>} : memref<3200x16xf32, #tpu.memory_space<vmem>>, vector<1x16xf32>,
        %get3A_683 = vector.shape_cast %get3A_682 : vector<1x16xf32> to vector<16xf32>
        %add3A_684 = arith.constant 42 : i32
        %add3A_685 = arith.addi %add3A_432, %add3A_684 : i32
        %get3A_686 = arith.index_cast %add3A_685 : i32 to index
        %get3A_687 = arith.constant 0 : index
        %get3A_688 = tpu.vector_load %arg6[%get3A_686, %get3A_687] {strides = array<i32>} : memref<3200x16xf32, #tpu.memory_space<vmem>>, vector<1x16xf32>,
        %get3A_689 = vector.shape_cast %get3A_688 : vector<1x16xf32> to vector<16xf32>
        %add3A_690 = arith.constant 43 : i32
        %add3A_691 = arith.addi %add3A_432, %add3A_690 : i32
        %get3A_692 = arith.index_cast %add3A_691 : i32 to index
        %get3A_693 = arith.constant 0 : index
        %get3A_694 = tpu.vector_load %arg6[%get3A_692, %get3A_693] {strides = array<i32>} : memref<3200x16xf32, #tpu.memory_space<vmem>>, vector<1x16xf32>,
        %get3A_695 = vector.shape_cast %get3A_694 : vector<1x16xf32> to vector<16xf32>
        %add3A_696 = arith.constant 44 : i32
        %add3A_697 = arith.addi %add3A_432, %add3A_696 : i32
        %get3A_698 = arith.index_cast %add3A_697 : i32 to index
        %get3A_699 = arith.constant 0 : index
        %get3A_700 = tpu.vector_load %arg6[%get3A_698, %get3A_699] {strides = array<i32>} : memref<3200x16xf32, #tpu.memory_space<vmem>>, vector<1x16xf32>,
        %get3A_701 = vector.shape_cast %get3A_700 : vector<1x16xf32> to vector<16xf32>
        %add3A_702 = arith.constant 45 : i32
        %add3A_703 = arith.addi %add3A_432, %add3A_702 : i32
        %get3A_704 = arith.index_cast %add3A_703 : i32 to index
        %get3A_705 = arith.constant 0 : index
        %get3A_706 = tpu.vector_load %arg6[%get3A_704, %get3A_705] {strides = array<i32>} : memref<3200x16xf32, #tpu.memory_space<vmem>>, vector<1x16xf32>,
        %get3A_707 = vector.shape_cast %get3A_706 : vector<1x16xf32> to vector<16xf32>
        %add3A_708 = arith.constant 46 : i32
        %add3A_709 = arith.addi %add3A_432, %add3A_708 : i32
        %get3A_710 = arith.index_cast %add3A_709 : i32 to index
        %get3A_711 = arith.constant 0 : index
        %get3A_712 = tpu.vector_load %arg6[%get3A_710, %get3A_711] {strides = array<i32>} : memref<3200x16xf32, #tpu.memory_space<vmem>>, vector<1x16xf32>,
        %get3A_713 = vector.shape_cast %get3A_712 : vector<1x16xf32> to vector<16xf32>
        %add3A_714 = arith.constant 47 : i32
        %add3A_715 = arith.addi %add3A_432, %add3A_714 : i32
        %get3A_716 = arith.index_cast %add3A_715 : i32 to index
        %get3A_717 = arith.constant 0 : index
        %get3A_718 = tpu.vector_load %arg6[%get3A_716, %get3A_717] {strides = array<i32>} : memref<3200x16xf32, #tpu.memory_space<vmem>>, vector<1x16xf32>,
        %get3A_719 = vector.shape_cast %get3A_718 : vector<1x16xf32> to vector<16xf32>
        %add3A_720 = arith.constant 48 : i32
        %add3A_721 = arith.addi %add3A_432, %add3A_720 : i32
        %get3A_722 = arith.index_cast %add3A_721 : i32 to index
        %get3A_723 = arith.constant 0 : index
        %get3A_724 = tpu.vector_load %arg6[%get3A_722, %get3A_723] {strides = array<i32>} : memref<3200x16xf32, #tpu.memory_space<vmem>>, vector<1x16xf32>,
        %get3A_725 = vector.shape_cast %get3A_724 : vector<1x16xf32> to vector<16xf32>
        %add3A_726 = arith.constant 49 : i32
        %add3A_727 = arith.addi %add3A_432, %add3A_726 : i32
        %get3A_728 = arith.index_cast %add3A_727 : i32 to index
        %get3A_729 = arith.constant 0 : index
        %get3A_730 = tpu.vector_load %arg6[%get3A_728, %get3A_729] {strides = array<i32>} : memref<3200x16xf32, #tpu.memory_space<vmem>>, vector<1x16xf32>,
        %get3A_731 = vector.shape_cast %get3A_730 : vector<1x16xf32> to vector<16xf32>
        %add3A_732 = arith.addf %get3A_437, %get3A_443 : vector<16xf32>
        %add3A_733 = arith.addf %get3A_449, %get3A_455 : vector<16xf32>
        %add3A_734 = arith.addf %get3A_461, %get3A_467 : vector<16xf32>
        %add3A_735 = arith.addf %get3A_473, %get3A_479 : vector<16xf32>
        %add3A_736 = arith.addf %get3A_485, %get3A_491 : vector<16xf32>
        %add3A_737 = arith.addf %get3A_497, %get3A_503 : vector<16xf32>
        %add3A_738 = arith.addf %get3A_509, %get3A_515 : vector<16xf32>
        %add3A_739 = arith.addf %get3A_521, %get3A_527 : vector<16xf32>
        %add3A_740 = arith.addf %get3A_533, %get3A_539 : vector<16xf32>
        %add3A_741 = arith.addf %get3A_545, %get3A_551 : vector<16xf32>
        %add3A_742 = arith.addf %get3A_557, %get3A_563 : vector<16xf32>
        %add3A_743 = arith.addf %get3A_569, %get3A_575 : vector<16xf32>
        %add3A_744 = arith.addf %get3A_581, %get3A_587 : vector<16xf32>
        %add3A_745 = arith.addf %get3A_593, %get3A_599 : vector<16xf32>
        %add3A_746 = arith.addf %get3A_605, %get3A_611 : vector<16xf32>
        %add3A_747 = arith.addf %get3A_617, %get3A_623 : vector<16xf32>
        %add3A_748 = arith.addf %get3A_629, %get3A_635 : vector<16xf32>
        %add3A_749 = arith.addf %get3A_641, %get3A_647 : vector<16xf32>
        %add3A_750 = arith.addf %get3A_653, %get3A_659 : vector<16xf32>
        %add3A_751 = arith.addf %get3A_665, %get3A_671 : vector<16xf32>
        %add3A_752 = arith.addf %get3A_677, %get3A_683 : vector<16xf32>
        %add3A_753 = arith.addf %get3A_689, %get3A_695 : vector<16xf32>
        %add3A_754 = arith.addf %get3A_701, %get3A_707 : vector<16xf32>
        %add3A_755 = arith.addf %get3A_713, %get3A_719 : vector<16xf32>
        %add3A_756 = arith.addf %get3A_725, %get3A_731 : vector<16xf32>
        %add3A_757 = arith.addf %add3A_732, %add3A_733 : vector<16xf32>
        %add3A_758 = arith.addf %add3A_734, %add3A_735 : vector<16xf32>
        %add3A_759 = arith.addf %add3A_736, %add3A_737 : vector<16xf32>
        %add3A_760 = arith.addf %add3A_738, %add3A_739 : vector<16xf32>
        %add3A_761 = arith.addf %add3A_740, %add3A_741 : vector<16xf32>
        %add3A_762 = arith.addf %add3A_742, %add3A_743 : vector<16xf32>
        %add3A_763 = arith.addf %add3A_744, %add3A_745 : vector<16xf32>
        %add3A_764 = arith.addf %add3A_746, %add3A_747 : vector<16xf32>
        %add3A_765 = arith.addf %add3A_748, %add3A_749 : vector<16xf32>
        %add3A_766 = arith.addf %add3A_750, %add3A_751 : vector<16xf32>
        %add3A_767 = arith.addf %add3A_752, %add3A_753 : vector<16xf32>
        %add3A_768 = arith.addf %add3A_754, %add3A_755 : vector<16xf32>
        %add3A_769 = arith.addf %add3A_757, %add3A_758 : vector<16xf32>
        %add3A_770 = arith.addf %add3A_759, %add3A_760 : vector<16xf32>
        %add3A_771 = arith.addf %add3A_761, %add3A_762 : vector<16xf32>
        %add3A_772 = arith.addf %add3A_763, %add3A_764 : vector<16xf32>
        %add3A_773 = arith.addf %add3A_765, %add3A_766 : vector<16xf32>
        %add3A_774 = arith.addf %add3A_767, %add3A_768 : vector<16xf32>
        %add3A_775 = arith.addf %add3A_769, %add3A_770 : vector<16xf32>
        %add3A_776 = arith.addf %add3A_771, %add3A_772 : vector<16xf32>
        %add3A_777 = arith.addf %add3A_773, %add3A_774 : vector<16xf32>
        %add3A_778 = arith.addf %add3A_775, %add3A_776 : vector<16xf32>
        %add3A_779 = arith.addf %add3A_777, %add3A_756 : vector<16xf32>
        %add3A_780 = arith.addf %add3A_778, %add3A_779 : vector<16xf32>
        %swap3A = arith.index_cast %scan3A_428 : i32 to index
        %swap3A_781 = arith.constant 0 : index
        %swap3A_782 = tpu.vector_load %arg7[%swap3A, %swap3A_781] {strides = array<i32>} : memref<32x16xf32, #tpu.memory_space<vmem>>, vector<1x16xf32>,
        %swap3A_783 = vector.shape_cast %swap3A_782 : vector<1x16xf32> to vector<16xf32>
        %swap3A_784 = vector.shape_cast %add3A_780 : vector<16xf32> to vector<1x16xf32>
        tpu.vector_store %arg7[%swap3A, %swap3A_781], %swap3A_784 {strides = array<i32>} : memref<32x16xf32, #tpu.memory_space<vmem>>, vector<1x16xf32>,
      }
      %scan3A_393 = arith.constant 32 : i32
      %mul3A_394 = arith.constant 512 : i32
      %mul3A_395 = arith.muli %add3A, %mul3A_394 : i32
      %mul3A_396 = arith.constant 32 : i32
      %mul3A_397 = arith.muli %mul3A_191, %mul3A_396 : i32
      %add3A_398 = arith.addi %mul3A_395, %mul3A_397 : i32
      %multiple_of3A_399 = tpu.assume_multiple %add3A_398, 32 : i32
      "tpu.region"() ({
        %run_scoped3A = tpu.sem_alloc : memref<!tpu.dma_semaphore, #tpu.memory_space<semaphore_mem>>
        %dma_start3A_428 = arith.constant 0 : i32
        %dma_start3A_429 = tpu.memref_slice %arg4[%multiple_of3A_399, %dma_start3A_428] : memref<16384x16xf32, #tpu.memory_space<hbm>> -> memref<32x16xf32, #tpu.memory_space<hbm>>
        %dma_start3A_430 = arith.constant 0 : i32
        %dma_start3A_431 = tpu.memref_slice %arg4[%multiple_of3A_399, %dma_start3A_430] : memref<16384x16xf32, #tpu.memory_space<hbm>> -> memref<32x16xf32, #tpu.memory_space<hbm>>
        tpu.enqueue_dma source(%arg7 : memref<32x16xf32, #tpu.memory_space<vmem>>) target(%dma_start3A_431 : memref<32x16xf32, #tpu.memory_space<hbm>>) target_semaphore(%run_scoped3A : memref<!tpu.dma_semaphore, #tpu.memory_space<semaphore_mem>>)
        %dma_wait3A_432 = arith.constant 0 : i32
        %dma_wait3A_433 = tpu.memref_slice %arg4[%multiple_of3A_399, %dma_wait3A_432] : memref<16384x16xf32, #tpu.memory_space<hbm>> -> memref<32x16xf32, #tpu.memory_space<hbm>>
        %dma_wait3A_434 = arith.constant 0 : i32
        %dma_wait3A_435 = tpu.memref_slice %arg4[%multiple_of3A_399, %dma_wait3A_434] : memref<16384x16xf32, #tpu.memory_space<hbm>> -> memref<32x16xf32, #tpu.memory_space<hbm>>
        tpu.wait_dma2 semaphore(%run_scoped3A : memref<!tpu.dma_semaphore, #tpu.memory_space<semaphore_mem>>) src(%arg7 : memref<32x16xf32, #tpu.memory_space<vmem>>) dst(%dma_wait3A_435 : memref<32x16xf32, #tpu.memory_space<hbm>>)
        tpu.yield
      }) : () -> ()
      %lt3A = arith.constant 7 : i32
      %lt3A_400 = arith.cmpi slt, %scan3A_189, %lt3A : i32
      %convert_element_type3A = arith.extui %lt3A_400 : i1 to i32
      %cond3A = arith.constant 0 : i32
      %cond3A_401 = arith.cmpi ne, %convert_element_type3A, %cond3A : i32
      scf.if %cond3A_401 {
        %add3A_428 = arith.constant 2 : i32
        %add3A_429 = arith.addi %mul3A_191, %add3A_428 : i32
        %mul3A_430 = arith.constant 1600 : i32
        %mul3A_431 = arith.muli %add3A_429, %mul3A_430 : i32
        %multiple_of3A_432 = tpu.assume_multiple %mul3A_431, 1600 : i32
        %add3A_433 = arith.constant 0 : i32
        %add3A_434 = arith.addi %multiple_of3A_432, %add3A_433 : i32
        %dma_start3A_435 = arith.constant 0 : i32
        %dma_start3A_436 = arith.constant 0 : i32
        %dma_start3A_437 = tpu.memref_slice %arg6[%dma_start3A_435, %dma_start3A_436] : memref<3200x16xf32, #tpu.memory_space<vmem>> -> memref<80x16xf32, #tpu.memory_space<vmem>>
        %dma_start3A_438 = tpu.memref_slice %arg5[%add3A_434] : memref<25600xi32, #tpu.memory_space<vmem>> -> memref<80xi32, #tpu.memory_space<vmem>>
        %dma_start3A_439 = arith.constant 0 : i32
        %dma_start3A_440 = arith.constant 0 : i32
        %dma_start3A_441 = tpu.memref_slice %arg2[%dma_start3A_439, %dma_start3A_440] : memref<1000000x16xf32, #tpu.memory_space<hbm>> -> memref<1000000x16xf32, #tpu.memory_space<hbm>>
        tpu.enqueue_indirect_dma source(%dma_start3A_441 : memref<1000000x16xf32, #tpu.memory_space<hbm>>) target(%dma_start3A_437 : memref<80x16xf32, #tpu.memory_space<vmem>>) offsets(%dma_start3A_438 : memref<80xi32, #tpu.memory_space<vmem>>) semaphore(%arg8 : memref<!tpu.dma_semaphore, #tpu.memory_space<semaphore_mem>>)
        %add3A_442 = arith.constant 80 : i32
        %add3A_443 = arith.addi %multiple_of3A_432, %add3A_442 : i32
        %dma_start3A_444 = arith.constant 80 : i32
        %dma_start3A_445 = arith.constant 0 : i32
        %dma_start3A_446 = tpu.memref_slice %arg6[%dma_start3A_444, %dma_start3A_445] : memref<3200x16xf32, #tpu.memory_space<vmem>> -> memref<80x16xf32, #tpu.memory_space<vmem>>
        %dma_start3A_447 = tpu.memref_slice %arg5[%add3A_443] : memref<25600xi32, #tpu.memory_space<vmem>> -> memref<80xi32, #tpu.memory_space<vmem>>
        %dma_start3A_448 = arith.constant 0 : i32
        %dma_start3A_449 = arith.constant 0 : i32
        %dma_start3A_450 = tpu.memref_slice %arg2[%dma_start3A_448, %dma_start3A_449] : memref<1000000x16xf32, #tpu.memory_space<hbm>> -> memref<1000000x16xf32, #tpu.memory_space<hbm>>
        tpu.enqueue_indirect_dma source(%dma_start3A_450 : memref<1000000x16xf32, #tpu.memory_space<hbm>>) target(%dma_start3A_446 : memref<80x16xf32, #tpu.memory_space<vmem>>) offsets(%dma_start3A_447 : memref<80xi32, #tpu.memory_space<vmem>>) semaphore(%arg8 : memref<!tpu.dma_semaphore, #tpu.memory_space<semaphore_mem>>)
        %add3A_451 = arith.constant 160 : i32
        %add3A_452 = arith.addi %multiple_of3A_432, %add3A_451 : i32
        %dma_start3A_453 = arith.constant 160 : i32
        %dma_start3A_454 = arith.constant 0 : i32
        %dma_start3A_455 = tpu.memref_slice %arg6[%dma_start3A_453, %dma_start3A_454] : memref<3200x16xf32, #tpu.memory_space<vmem>> -> memref<80x16xf32, #tpu.memory_space<vmem>>
        %dma_start3A_456 = tpu.memref_slice %arg5[%add3A_452] : memref<25600xi32, #tpu.memory_space<vmem>> -> memref<80xi32, #tpu.memory_space<vmem>>
        %dma_start3A_457 = arith.constant 0 : i32
        %dma_start3A_458 = arith.constant 0 : i32
        %dma_start3A_459 = tpu.memref_slice %arg2[%dma_start3A_457, %dma_start3A_458] : memref<1000000x16xf32, #tpu.memory_space<hbm>> -> memref<1000000x16xf32, #tpu.memory_space<hbm>>
        tpu.enqueue_indirect_dma source(%dma_start3A_459 : memref<1000000x16xf32, #tpu.memory_space<hbm>>) target(%dma_start3A_455 : memref<80x16xf32, #tpu.memory_space<vmem>>) offsets(%dma_start3A_456 : memref<80xi32, #tpu.memory_space<vmem>>) semaphore(%arg8 : memref<!tpu.dma_semaphore, #tpu.memory_space<semaphore_mem>>)
        %add3A_460 = arith.constant 240 : i32
        %add3A_461 = arith.addi %multiple_of3A_432, %add3A_460 : i32
        %dma_start3A_462 = arith.constant 240 : i32
        %dma_start3A_463 = arith.constant 0 : i32
        %dma_start3A_464 = tpu.memref_slice %arg6[%dma_start3A_462, %dma_start3A_463] : memref<3200x16xf32, #tpu.memory_space<vmem>> -> memref<80x16xf32, #tpu.memory_space<vmem>>
        %dma_start3A_465 = tpu.memref_slice %arg5[%add3A_461] : memref<25600xi32, #tpu.memory_space<vmem>> -> memref<80xi32, #tpu.memory_space<vmem>>
        %dma_start3A_466 = arith.constant 0 : i32
        %dma_start3A_467 = arith.constant 0 : i32
        %dma_start3A_468 = tpu.memref_slice %arg2[%dma_start3A_466, %dma_start3A_467] : memref<1000000x16xf32, #tpu.memory_space<hbm>> -> memref<1000000x16xf32, #tpu.memory_space<hbm>>
        tpu.enqueue_indirect_dma source(%dma_start3A_468 : memref<1000000x16xf32, #tpu.memory_space<hbm>>) target(%dma_start3A_464 : memref<80x16xf32, #tpu.memory_space<vmem>>) offsets(%dma_start3A_465 : memref<80xi32, #tpu.memory_space<vmem>>) semaphore(%arg8 : memref<!tpu.dma_semaphore, #tpu.memory_space<semaphore_mem>>)
        %add3A_469 = arith.constant 320 : i32
        %add3A_470 = arith.addi %multiple_of3A_432, %add3A_469 : i32
        %dma_start3A_471 = arith.constant 320 : i32
        %dma_start3A_472 = arith.constant 0 : i32
        %dma_start3A_473 = tpu.memref_slice %arg6[%dma_start3A_471, %dma_start3A_472] : memref<3200x16xf32, #tpu.memory_space<vmem>> -> memref<80x16xf32, #tpu.memory_space<vmem>>
        %dma_start3A_474 = tpu.memref_slice %arg5[%add3A_470] : memref<25600xi32, #tpu.memory_space<vmem>> -> memref<80xi32, #tpu.memory_space<vmem>>
        %dma_start3A_475 = arith.constant 0 : i32
        %dma_start3A_476 = arith.constant 0 : i32
        %dma_start3A_477 = tpu.memref_slice %arg2[%dma_start3A_475, %dma_start3A_476] : memref<1000000x16xf32, #tpu.memory_space<hbm>> -> memref<1000000x16xf32, #tpu.memory_space<hbm>>
        tpu.enqueue_indirect_dma source(%dma_start3A_477 : memref<1000000x16xf32, #tpu.memory_space<hbm>>) target(%dma_start3A_473 : memref<80x16xf32, #tpu.memory_space<vmem>>) offsets(%dma_start3A_474 : memref<80xi32, #tpu.memory_space<vmem>>) semaphore(%arg8 : memref<!tpu.dma_semaphore, #tpu.memory_space<semaphore_mem>>)
        %add3A_478 = arith.constant 400 : i32
        %add3A_479 = arith.addi %multiple_of3A_432, %add3A_478 : i32
        %dma_start3A_480 = arith.constant 400 : i32
        %dma_start3A_481 = arith.constant 0 : i32
        %dma_start3A_482 = tpu.memref_slice %arg6[%dma_start3A_480, %dma_start3A_481] : memref<3200x16xf32, #tpu.memory_space<vmem>> -> memref<80x16xf32, #tpu.memory_space<vmem>>
        %dma_start3A_483 = tpu.memref_slice %arg5[%add3A_479] : memref<25600xi32, #tpu.memory_space<vmem>> -> memref<80xi32, #tpu.memory_space<vmem>>
        %dma_start3A_484 = arith.constant 0 : i32
        %dma_start3A_485 = arith.constant 0 : i32
        %dma_start3A_486 = tpu.memref_slice %arg2[%dma_start3A_484, %dma_start3A_485] : memref<1000000x16xf32, #tpu.memory_space<hbm>> -> memref<1000000x16xf32, #tpu.memory_space<hbm>>
        tpu.enqueue_indirect_dma source(%dma_start3A_486 : memref<1000000x16xf32, #tpu.memory_space<hbm>>) target(%dma_start3A_482 : memref<80x16xf32, #tpu.memory_space<vmem>>) offsets(%dma_start3A_483 : memref<80xi32, #tpu.memory_space<vmem>>) semaphore(%arg8 : memref<!tpu.dma_semaphore, #tpu.memory_space<semaphore_mem>>)
        %add3A_487 = arith.constant 480 : i32
        %add3A_488 = arith.addi %multiple_of3A_432, %add3A_487 : i32
        %dma_start3A_489 = arith.constant 480 : i32
        %dma_start3A_490 = arith.constant 0 : i32
        %dma_start3A_491 = tpu.memref_slice %arg6[%dma_start3A_489, %dma_start3A_490] : memref<3200x16xf32, #tpu.memory_space<vmem>> -> memref<80x16xf32, #tpu.memory_space<vmem>>
        %dma_start3A_492 = tpu.memref_slice %arg5[%add3A_488] : memref<25600xi32, #tpu.memory_space<vmem>> -> memref<80xi32, #tpu.memory_space<vmem>>
        %dma_start3A_493 = arith.constant 0 : i32
        %dma_start3A_494 = arith.constant 0 : i32
        %dma_start3A_495 = tpu.memref_slice %arg2[%dma_start3A_493, %dma_start3A_494] : memref<1000000x16xf32, #tpu.memory_space<hbm>> -> memref<1000000x16xf32, #tpu.memory_space<hbm>>
        tpu.enqueue_indirect_dma source(%dma_start3A_495 : memref<1000000x16xf32, #tpu.memory_space<hbm>>) target(%dma_start3A_491 : memref<80x16xf32, #tpu.memory_space<vmem>>) offsets(%dma_start3A_492 : memref<80xi32, #tpu.memory_space<vmem>>) semaphore(%arg8 : memref<!tpu.dma_semaphore, #tpu.memory_space<semaphore_mem>>)
        %add3A_496 = arith.constant 560 : i32
        %add3A_497 = arith.addi %multiple_of3A_432, %add3A_496 : i32
        %dma_start3A_498 = arith.constant 560 : i32
        %dma_start3A_499 = arith.constant 0 : i32
        %dma_start3A_500 = tpu.memref_slice %arg6[%dma_start3A_498, %dma_start3A_499] : memref<3200x16xf32, #tpu.memory_space<vmem>> -> memref<80x16xf32, #tpu.memory_space<vmem>>
        %dma_start3A_501 = tpu.memref_slice %arg5[%add3A_497] : memref<25600xi32, #tpu.memory_space<vmem>> -> memref<80xi32, #tpu.memory_space<vmem>>
        %dma_start3A_502 = arith.constant 0 : i32
        %dma_start3A_503 = arith.constant 0 : i32
        %dma_start3A_504 = tpu.memref_slice %arg2[%dma_start3A_502, %dma_start3A_503] : memref<1000000x16xf32, #tpu.memory_space<hbm>> -> memref<1000000x16xf32, #tpu.memory_space<hbm>>
        tpu.enqueue_indirect_dma source(%dma_start3A_504 : memref<1000000x16xf32, #tpu.memory_space<hbm>>) target(%dma_start3A_500 : memref<80x16xf32, #tpu.memory_space<vmem>>) offsets(%dma_start3A_501 : memref<80xi32, #tpu.memory_space<vmem>>) semaphore(%arg8 : memref<!tpu.dma_semaphore, #tpu.memory_space<semaphore_mem>>)
        %add3A_505 = arith.constant 640 : i32
        %add3A_506 = arith.addi %multiple_of3A_432, %add3A_505 : i32
        %dma_start3A_507 = arith.constant 640 : i32
        %dma_start3A_508 = arith.constant 0 : i32
        %dma_start3A_509 = tpu.memref_slice %arg6[%dma_start3A_507, %dma_start3A_508] : memref<3200x16xf32, #tpu.memory_space<vmem>> -> memref<80x16xf32, #tpu.memory_space<vmem>>
        %dma_start3A_510 = tpu.memref_slice %arg5[%add3A_506] : memref<25600xi32, #tpu.memory_space<vmem>> -> memref<80xi32, #tpu.memory_space<vmem>>
        %dma_start3A_511 = arith.constant 0 : i32
        %dma_start3A_512 = arith.constant 0 : i32
        %dma_start3A_513 = tpu.memref_slice %arg2[%dma_start3A_511, %dma_start3A_512] : memref<1000000x16xf32, #tpu.memory_space<hbm>> -> memref<1000000x16xf32, #tpu.memory_space<hbm>>
        tpu.enqueue_indirect_dma source(%dma_start3A_513 : memref<1000000x16xf32, #tpu.memory_space<hbm>>) target(%dma_start3A_509 : memref<80x16xf32, #tpu.memory_space<vmem>>) offsets(%dma_start3A_510 : memref<80xi32, #tpu.memory_space<vmem>>) semaphore(%arg8 : memref<!tpu.dma_semaphore, #tpu.memory_space<semaphore_mem>>)
        %add3A_514 = arith.constant 720 : i32
        %add3A_515 = arith.addi %multiple_of3A_432, %add3A_514 : i32
        %dma_start3A_516 = arith.constant 720 : i32
        %dma_start3A_517 = arith.constant 0 : i32
        %dma_start3A_518 = tpu.memref_slice %arg6[%dma_start3A_516, %dma_start3A_517] : memref<3200x16xf32, #tpu.memory_space<vmem>> -> memref<80x16xf32, #tpu.memory_space<vmem>>
        %dma_start3A_519 = tpu.memref_slice %arg5[%add3A_515] : memref<25600xi32, #tpu.memory_space<vmem>> -> memref<80xi32, #tpu.memory_space<vmem>>
        %dma_start3A_520 = arith.constant 0 : i32
        %dma_start3A_521 = arith.constant 0 : i32
        %dma_start3A_522 = tpu.memref_slice %arg2[%dma_start3A_520, %dma_start3A_521] : memref<1000000x16xf32, #tpu.memory_space<hbm>> -> memref<1000000x16xf32, #tpu.memory_space<hbm>>
        tpu.enqueue_indirect_dma source(%dma_start3A_522 : memref<1000000x16xf32, #tpu.memory_space<hbm>>) target(%dma_start3A_518 : memref<80x16xf32, #tpu.memory_space<vmem>>) offsets(%dma_start3A_519 : memref<80xi32, #tpu.memory_space<vmem>>) semaphore(%arg8 : memref<!tpu.dma_semaphore, #tpu.memory_space<semaphore_mem>>)
        %add3A_523 = arith.constant 800 : i32
        %add3A_524 = arith.addi %multiple_of3A_432, %add3A_523 : i32
        %dma_start3A_525 = arith.constant 800 : i32
        %dma_start3A_526 = arith.constant 0 : i32
        %dma_start3A_527 = tpu.memref_slice %arg6[%dma_start3A_525, %dma_start3A_526] : memref<3200x16xf32, #tpu.memory_space<vmem>> -> memref<80x16xf32, #tpu.memory_space<vmem>>
        %dma_start3A_528 = tpu.memref_slice %arg5[%add3A_524] : memref<25600xi32, #tpu.memory_space<vmem>> -> memref<80xi32, #tpu.memory_space<vmem>>
        %dma_start3A_529 = arith.constant 0 : i32
        %dma_start3A_530 = arith.constant 0 : i32
        %dma_start3A_531 = tpu.memref_slice %arg2[%dma_start3A_529, %dma_start3A_530] : memref<1000000x16xf32, #tpu.memory_space<hbm>> -> memref<1000000x16xf32, #tpu.memory_space<hbm>>
        tpu.enqueue_indirect_dma source(%dma_start3A_531 : memref<1000000x16xf32, #tpu.memory_space<hbm>>) target(%dma_start3A_527 : memref<80x16xf32, #tpu.memory_space<vmem>>) offsets(%dma_start3A_528 : memref<80xi32, #tpu.memory_space<vmem>>) semaphore(%arg8 : memref<!tpu.dma_semaphore, #tpu.memory_space<semaphore_mem>>)
        %add3A_532 = arith.constant 880 : i32
        %add3A_533 = arith.addi %multiple_of3A_432, %add3A_532 : i32
        %dma_start3A_534 = arith.constant 880 : i32
        %dma_start3A_535 = arith.constant 0 : i32
        %dma_start3A_536 = tpu.memref_slice %arg6[%dma_start3A_534, %dma_start3A_535] : memref<3200x16xf32, #tpu.memory_space<vmem>> -> memref<80x16xf32, #tpu.memory_space<vmem>>
        %dma_start3A_537 = tpu.memref_slice %arg5[%add3A_533] : memref<25600xi32, #tpu.memory_space<vmem>> -> memref<80xi32, #tpu.memory_space<vmem>>
        %dma_start3A_538 = arith.constant 0 : i32
        %dma_start3A_539 = arith.constant 0 : i32
        %dma_start3A_540 = tpu.memref_slice %arg2[%dma_start3A_538, %dma_start3A_539] : memref<1000000x16xf32, #tpu.memory_space<hbm>> -> memref<1000000x16xf32, #tpu.memory_space<hbm>>
        tpu.enqueue_indirect_dma source(%dma_start3A_540 : memref<1000000x16xf32, #tpu.memory_space<hbm>>) target(%dma_start3A_536 : memref<80x16xf32, #tpu.memory_space<vmem>>) offsets(%dma_start3A_537 : memref<80xi32, #tpu.memory_space<vmem>>) semaphore(%arg8 : memref<!tpu.dma_semaphore, #tpu.memory_space<semaphore_mem>>)
        %add3A_541 = arith.constant 960 : i32
        %add3A_542 = arith.addi %multiple_of3A_432, %add3A_541 : i32
        %dma_start3A_543 = arith.constant 960 : i32
        %dma_start3A_544 = arith.constant 0 : i32
        %dma_start3A_545 = tpu.memref_slice %arg6[%dma_start3A_543, %dma_start3A_544] : memref<3200x16xf32, #tpu.memory_space<vmem>> -> memref<80x16xf32, #tpu.memory_space<vmem>>
        %dma_start3A_546 = tpu.memref_slice %arg5[%add3A_542] : memref<25600xi32, #tpu.memory_space<vmem>> -> memref<80xi32, #tpu.memory_space<vmem>>
        %dma_start3A_547 = arith.constant 0 : i32
        %dma_start3A_548 = arith.constant 0 : i32
        %dma_start3A_549 = tpu.memref_slice %arg2[%dma_start3A_547, %dma_start3A_548] : memref<1000000x16xf32, #tpu.memory_space<hbm>> -> memref<1000000x16xf32, #tpu.memory_space<hbm>>
        tpu.enqueue_indirect_dma source(%dma_start3A_549 : memref<1000000x16xf32, #tpu.memory_space<hbm>>) target(%dma_start3A_545 : memref<80x16xf32, #tpu.memory_space<vmem>>) offsets(%dma_start3A_546 : memref<80xi32, #tpu.memory_space<vmem>>) semaphore(%arg8 : memref<!tpu.dma_semaphore, #tpu.memory_space<semaphore_mem>>)
        %add3A_550 = arith.constant 1040 : i32
        %add3A_551 = arith.addi %multiple_of3A_432, %add3A_550 : i32
        %dma_start3A_552 = arith.constant 1040 : i32
        %dma_start3A_553 = arith.constant 0 : i32
        %dma_start3A_554 = tpu.memref_slice %arg6[%dma_start3A_552, %dma_start3A_553] : memref<3200x16xf32, #tpu.memory_space<vmem>> -> memref<80x16xf32, #tpu.memory_space<vmem>>
        %dma_start3A_555 = tpu.memref_slice %arg5[%add3A_551] : memref<25600xi32, #tpu.memory_space<vmem>> -> memref<80xi32, #tpu.memory_space<vmem>>
        %dma_start3A_556 = arith.constant 0 : i32
        %dma_start3A_557 = arith.constant 0 : i32
        %dma_start3A_558 = tpu.memref_slice %arg2[%dma_start3A_556, %dma_start3A_557] : memref<1000000x16xf32, #tpu.memory_space<hbm>> -> memref<1000000x16xf32, #tpu.memory_space<hbm>>
        tpu.enqueue_indirect_dma source(%dma_start3A_558 : memref<1000000x16xf32, #tpu.memory_space<hbm>>) target(%dma_start3A_554 : memref<80x16xf32, #tpu.memory_space<vmem>>) offsets(%dma_start3A_555 : memref<80xi32, #tpu.memory_space<vmem>>) semaphore(%arg8 : memref<!tpu.dma_semaphore, #tpu.memory_space<semaphore_mem>>)
        %add3A_559 = arith.constant 1120 : i32
        %add3A_560 = arith.addi %multiple_of3A_432, %add3A_559 : i32
        %dma_start3A_561 = arith.constant 1120 : i32
        %dma_start3A_562 = arith.constant 0 : i32
        %dma_start3A_563 = tpu.memref_slice %arg6[%dma_start3A_561, %dma_start3A_562] : memref<3200x16xf32, #tpu.memory_space<vmem>> -> memref<80x16xf32, #tpu.memory_space<vmem>>
        %dma_start3A_564 = tpu.memref_slice %arg5[%add3A_560] : memref<25600xi32, #tpu.memory_space<vmem>> -> memref<80xi32, #tpu.memory_space<vmem>>
        %dma_start3A_565 = arith.constant 0 : i32
        %dma_start3A_566 = arith.constant 0 : i32
        %dma_start3A_567 = tpu.memref_slice %arg2[%dma_start3A_565, %dma_start3A_566] : memref<1000000x16xf32, #tpu.memory_space<hbm>> -> memref<1000000x16xf32, #tpu.memory_space<hbm>>
        tpu.enqueue_indirect_dma source(%dma_start3A_567 : memref<1000000x16xf32, #tpu.memory_space<hbm>>) target(%dma_start3A_563 : memref<80x16xf32, #tpu.memory_space<vmem>>) offsets(%dma_start3A_564 : memref<80xi32, #tpu.memory_space<vmem>>) semaphore(%arg8 : memref<!tpu.dma_semaphore, #tpu.memory_space<semaphore_mem>>)
        %add3A_568 = arith.constant 1200 : i32
        %add3A_569 = arith.addi %multiple_of3A_432, %add3A_568 : i32
        %dma_start3A_570 = arith.constant 1200 : i32
        %dma_start3A_571 = arith.constant 0 : i32
        %dma_start3A_572 = tpu.memref_slice %arg6[%dma_start3A_570, %dma_start3A_571] : memref<3200x16xf32, #tpu.memory_space<vmem>> -> memref<80x16xf32, #tpu.memory_space<vmem>>
        %dma_start3A_573 = tpu.memref_slice %arg5[%add3A_569] : memref<25600xi32, #tpu.memory_space<vmem>> -> memref<80xi32, #tpu.memory_space<vmem>>
        %dma_start3A_574 = arith.constant 0 : i32
        %dma_start3A_575 = arith.constant 0 : i32
        %dma_start3A_576 = tpu.memref_slice %arg2[%dma_start3A_574, %dma_start3A_575] : memref<1000000x16xf32, #tpu.memory_space<hbm>> -> memref<1000000x16xf32, #tpu.memory_space<hbm>>
        tpu.enqueue_indirect_dma source(%dma_start3A_576 : memref<1000000x16xf32, #tpu.memory_space<hbm>>) target(%dma_start3A_572 : memref<80x16xf32, #tpu.memory_space<vmem>>) offsets(%dma_start3A_573 : memref<80xi32, #tpu.memory_space<vmem>>) semaphore(%arg8 : memref<!tpu.dma_semaphore, #tpu.memory_space<semaphore_mem>>)
        %add3A_577 = arith.constant 1280 : i32
        %add3A_578 = arith.addi %multiple_of3A_432, %add3A_577 : i32
        %dma_start3A_579 = arith.constant 1280 : i32
        %dma_start3A_580 = arith.constant 0 : i32
        %dma_start3A_581 = tpu.memref_slice %arg6[%dma_start3A_579, %dma_start3A_580] : memref<3200x16xf32, #tpu.memory_space<vmem>> -> memref<80x16xf32, #tpu.memory_space<vmem>>
        %dma_start3A_582 = tpu.memref_slice %arg5[%add3A_578] : memref<25600xi32, #tpu.memory_space<vmem>> -> memref<80xi32, #tpu.memory_space<vmem>>
        %dma_start3A_583 = arith.constant 0 : i32
        %dma_start3A_584 = arith.constant 0 : i32
        %dma_start3A_585 = tpu.memref_slice %arg2[%dma_start3A_583, %dma_start3A_584] : memref<1000000x16xf32, #tpu.memory_space<hbm>> -> memref<1000000x16xf32, #tpu.memory_space<hbm>>
        tpu.enqueue_indirect_dma source(%dma_start3A_585 : memref<1000000x16xf32, #tpu.memory_space<hbm>>) target(%dma_start3A_581 : memref<80x16xf32, #tpu.memory_space<vmem>>) offsets(%dma_start3A_582 : memref<80xi32, #tpu.memory_space<vmem>>) semaphore(%arg8 : memref<!tpu.dma_semaphore, #tpu.memory_space<semaphore_mem>>)
        %add3A_586 = arith.constant 1360 : i32
        %add3A_587 = arith.addi %multiple_of3A_432, %add3A_586 : i32
        %dma_start3A_588 = arith.constant 1360 : i32
        %dma_start3A_589 = arith.constant 0 : i32
        %dma_start3A_590 = tpu.memref_slice %arg6[%dma_start3A_588, %dma_start3A_589] : memref<3200x16xf32, #tpu.memory_space<vmem>> -> memref<80x16xf32, #tpu.memory_space<vmem>>
        %dma_start3A_591 = tpu.memref_slice %arg5[%add3A_587] : memref<25600xi32, #tpu.memory_space<vmem>> -> memref<80xi32, #tpu.memory_space<vmem>>
        %dma_start3A_592 = arith.constant 0 : i32
        %dma_start3A_593 = arith.constant 0 : i32
        %dma_start3A_594 = tpu.memref_slice %arg2[%dma_start3A_592, %dma_start3A_593] : memref<1000000x16xf32, #tpu.memory_space<hbm>> -> memref<1000000x16xf32, #tpu.memory_space<hbm>>
        tpu.enqueue_indirect_dma source(%dma_start3A_594 : memref<1000000x16xf32, #tpu.memory_space<hbm>>) target(%dma_start3A_590 : memref<80x16xf32, #tpu.memory_space<vmem>>) offsets(%dma_start3A_591 : memref<80xi32, #tpu.memory_space<vmem>>) semaphore(%arg8 : memref<!tpu.dma_semaphore, #tpu.memory_space<semaphore_mem>>)
        %add3A_595 = arith.constant 1440 : i32
        %add3A_596 = arith.addi %multiple_of3A_432, %add3A_595 : i32
        %dma_start3A_597 = arith.constant 1440 : i32
        %dma_start3A_598 = arith.constant 0 : i32
        %dma_start3A_599 = tpu.memref_slice %arg6[%dma_start3A_597, %dma_start3A_598] : memref<3200x16xf32, #tpu.memory_space<vmem>> -> memref<80x16xf32, #tpu.memory_space<vmem>>
        %dma_start3A_600 = tpu.memref_slice %arg5[%add3A_596] : memref<25600xi32, #tpu.memory_space<vmem>> -> memref<80xi32, #tpu.memory_space<vmem>>
        %dma_start3A_601 = arith.constant 0 : i32
        %dma_start3A_602 = arith.constant 0 : i32
        %dma_start3A_603 = tpu.memref_slice %arg2[%dma_start3A_601, %dma_start3A_602] : memref<1000000x16xf32, #tpu.memory_space<hbm>> -> memref<1000000x16xf32, #tpu.memory_space<hbm>>
        tpu.enqueue_indirect_dma source(%dma_start3A_603 : memref<1000000x16xf32, #tpu.memory_space<hbm>>) target(%dma_start3A_599 : memref<80x16xf32, #tpu.memory_space<vmem>>) offsets(%dma_start3A_600 : memref<80xi32, #tpu.memory_space<vmem>>) semaphore(%arg8 : memref<!tpu.dma_semaphore, #tpu.memory_space<semaphore_mem>>)
        %add3A_604 = arith.constant 1520 : i32
        %add3A_605 = arith.addi %multiple_of3A_432, %add3A_604 : i32
        %dma_start3A_606 = arith.constant 1520 : i32
        %dma_start3A_607 = arith.constant 0 : i32
        %dma_start3A_608 = tpu.memref_slice %arg6[%dma_start3A_606, %dma_start3A_607] : memref<3200x16xf32, #tpu.memory_space<vmem>> -> memref<80x16xf32, #tpu.memory_space<vmem>>
        %dma_start3A_609 = tpu.memref_slice %arg5[%add3A_605] : memref<25600xi32, #tpu.memory_space<vmem>> -> memref<80xi32, #tpu.memory_space<vmem>>
        %dma_start3A_610 = arith.constant 0 : i32
        %dma_start3A_611 = arith.constant 0 : i32
        %dma_start3A_612 = tpu.memref_slice %arg2[%dma_start3A_610, %dma_start3A_611] : memref<1000000x16xf32, #tpu.memory_space<hbm>> -> memref<1000000x16xf32, #tpu.memory_space<hbm>>
        tpu.enqueue_indirect_dma source(%dma_start3A_612 : memref<1000000x16xf32, #tpu.memory_space<hbm>>) target(%dma_start3A_608 : memref<80x16xf32, #tpu.memory_space<vmem>>) offsets(%dma_start3A_609 : memref<80xi32, #tpu.memory_space<vmem>>) semaphore(%arg8 : memref<!tpu.dma_semaphore, #tpu.memory_space<semaphore_mem>>)
      } else {
      }
      %dma_wait3A_402 = arith.constant 1600 : i32
      %dma_wait3A_403 = arith.constant 0 : i32
      %dma_wait3A_404 = tpu.memref_slice %arg6[%dma_wait3A_402, %dma_wait3A_403] : memref<3200x16xf32, #tpu.memory_space<vmem>> -> memref<1600x16xf32, #tpu.memory_space<vmem>>
      %dma_wait3A_405 = arith.constant 0 : i32
      %dma_wait3A_406 = arith.constant 0 : i32
      %dma_wait3A_407 = tpu.memref_slice %arg2[%dma_wait3A_405, %dma_wait3A_406] : memref<1000000x16xf32, #tpu.memory_space<hbm>> -> memref<1600x16xf32, #tpu.memory_space<hbm>>
      %dma_wait3A_408 = arith.constant 1600 : i32
      %dma_wait3A_409 = arith.constant 0 : i32
      %dma_wait3A_410 = tpu.memref_slice %arg6[%dma_wait3A_408, %dma_wait3A_409] : memref<3200x16xf32, #tpu.memory_space<vmem>> -> memref<1600x16xf32, #tpu.memory_space<vmem>>
      %dma_wait3A_411 = arith.constant 0 : i32
      %dma_wait3A_412 = arith.constant 0 : i32
      %dma_wait3A_413 = tpu.memref_slice %arg2[%dma_wait3A_411, %dma_wait3A_412] : memref<1000000x16xf32, #tpu.memory_space<hbm>> -> memref<1600x16xf32, #tpu.memory_space<hbm>>
      tpu.wait_dma2 semaphore(%arg9 : memref<!tpu.dma_semaphore, #tpu.memory_space<semaphore_mem>>) src(%dma_wait3A_413 : memref<1600x16xf32, #tpu.memory_space<hbm>>) dst(%dma_wait3A_410 : memref<1600x16xf32, #tpu.memory_space<vmem>>)
      %add3A_414 = arith.constant 1 : i32
      %add3A_415 = arith.addi %mul3A_191, %add3A_414 : i32
      %scan3A_416 = arith.constant 0 : i32
      %scan3A_417 = arith.constant 0 : i32
      %scan3A_418 = arith.constant 32 : i32
      %scan3A_419 = arith.addi %scan3A_417, %scan3A_418 : i32
      %scan3A_420 = arith.constant 1 : i32
      scf.for %scan3A_428 = %scan3A_417 to %scan3A_419 step %scan3A_420  : i32 {
        %mul3A_429 = arith.constant 50 : i32
        %mul3A_430 = arith.muli %scan3A_428, %mul3A_429 : i32
        %add3A_431 = arith.constant 1600 : i32
        %add3A_432 = arith.addi %add3A_431, %mul3A_430 : i32
        %add3A_433 = arith.constant 0 : i32
        %add3A_434 = arith.addi %add3A_432, %add3A_433 : i32
        %get3A = arith.index_cast %add3A_434 : i32 to index
        %get3A_435 = arith.constant 0 : index
        %get3A_436 = tpu.vector_load %arg6[%get3A, %get3A_435] {strides = array<i32>} : memref<3200x16xf32, #tpu.memory_space<vmem>>, vector<1x16xf32>,
        %get3A_437 = vector.shape_cast %get3A_436 : vector<1x16xf32> to vector<16xf32>
        %add3A_438 = arith.constant 1 : i32
        %add3A_439 = arith.addi %add3A_432, %add3A_438 : i32
        %get3A_440 = arith.index_cast %add3A_439 : i32 to index
        %get3A_441 = arith.constant 0 : index
        %get3A_442 = tpu.vector_load %arg6[%get3A_440, %get3A_441] {strides = array<i32>} : memref<3200x16xf32, #tpu.memory_space<vmem>>, vector<1x16xf32>,
        %get3A_443 = vector.shape_cast %get3A_442 : vector<1x16xf32> to vector<16xf32>
        %add3A_444 = arith.constant 2 : i32
        %add3A_445 = arith.addi %add3A_432, %add3A_444 : i32
        %get3A_446 = arith.index_cast %add3A_445 : i32 to index
        %get3A_447 = arith.constant 0 : index
        %get3A_448 = tpu.vector_load %arg6[%get3A_446, %get3A_447] {strides = array<i32>} : memref<3200x16xf32, #tpu.memory_space<vmem>>, vector<1x16xf32>,
        %get3A_449 = vector.shape_cast %get3A_448 : vector<1x16xf32> to vector<16xf32>
        %add3A_450 = arith.constant 3 : i32
        %add3A_451 = arith.addi %add3A_432, %add3A_450 : i32
        %get3A_452 = arith.index_cast %add3A_451 : i32 to index
        %get3A_453 = arith.constant 0 : index
        %get3A_454 = tpu.vector_load %arg6[%get3A_452, %get3A_453] {strides = array<i32>} : memref<3200x16xf32, #tpu.memory_space<vmem>>, vector<1x16xf32>,
        %get3A_455 = vector.shape_cast %get3A_454 : vector<1x16xf32> to vector<16xf32>
        %add3A_456 = arith.constant 4 : i32
        %add3A_457 = arith.addi %add3A_432, %add3A_456 : i32
        %get3A_458 = arith.index_cast %add3A_457 : i32 to index
        %get3A_459 = arith.constant 0 : index
        %get3A_460 = tpu.vector_load %arg6[%get3A_458, %get3A_459] {strides = array<i32>} : memref<3200x16xf32, #tpu.memory_space<vmem>>, vector<1x16xf32>,
        %get3A_461 = vector.shape_cast %get3A_460 : vector<1x16xf32> to vector<16xf32>
        %add3A_462 = arith.constant 5 : i32
        %add3A_463 = arith.addi %add3A_432, %add3A_462 : i32
        %get3A_464 = arith.index_cast %add3A_463 : i32 to index
        %get3A_465 = arith.constant 0 : index
        %get3A_466 = tpu.vector_load %arg6[%get3A_464, %get3A_465] {strides = array<i32>} : memref<3200x16xf32, #tpu.memory_space<vmem>>, vector<1x16xf32>,
        %get3A_467 = vector.shape_cast %get3A_466 : vector<1x16xf32> to vector<16xf32>
        %add3A_468 = arith.constant 6 : i32
        %add3A_469 = arith.addi %add3A_432, %add3A_468 : i32
        %get3A_470 = arith.index_cast %add3A_469 : i32 to index
        %get3A_471 = arith.constant 0 : index
        %get3A_472 = tpu.vector_load %arg6[%get3A_470, %get3A_471] {strides = array<i32>} : memref<3200x16xf32, #tpu.memory_space<vmem>>, vector<1x16xf32>,
        %get3A_473 = vector.shape_cast %get3A_472 : vector<1x16xf32> to vector<16xf32>
        %add3A_474 = arith.constant 7 : i32
        %add3A_475 = arith.addi %add3A_432, %add3A_474 : i32
        %get3A_476 = arith.index_cast %add3A_475 : i32 to index
        %get3A_477 = arith.constant 0 : index
        %get3A_478 = tpu.vector_load %arg6[%get3A_476, %get3A_477] {strides = array<i32>} : memref<3200x16xf32, #tpu.memory_space<vmem>>, vector<1x16xf32>,
        %get3A_479 = vector.shape_cast %get3A_478 : vector<1x16xf32> to vector<16xf32>
        %add3A_480 = arith.constant 8 : i32
        %add3A_481 = arith.addi %add3A_432, %add3A_480 : i32
        %get3A_482 = arith.index_cast %add3A_481 : i32 to index
        %get3A_483 = arith.constant 0 : index
        %get3A_484 = tpu.vector_load %arg6[%get3A_482, %get3A_483] {strides = array<i32>} : memref<3200x16xf32, #tpu.memory_space<vmem>>, vector<1x16xf32>,
        %get3A_485 = vector.shape_cast %get3A_484 : vector<1x16xf32> to vector<16xf32>
        %add3A_486 = arith.constant 9 : i32
        %add3A_487 = arith.addi %add3A_432, %add3A_486 : i32
        %get3A_488 = arith.index_cast %add3A_487 : i32 to index
        %get3A_489 = arith.constant 0 : index
        %get3A_490 = tpu.vector_load %arg6[%get3A_488, %get3A_489] {strides = array<i32>} : memref<3200x16xf32, #tpu.memory_space<vmem>>, vector<1x16xf32>,
        %get3A_491 = vector.shape_cast %get3A_490 : vector<1x16xf32> to vector<16xf32>
        %add3A_492 = arith.constant 10 : i32
        %add3A_493 = arith.addi %add3A_432, %add3A_492 : i32
        %get3A_494 = arith.index_cast %add3A_493 : i32 to index
        %get3A_495 = arith.constant 0 : index
        %get3A_496 = tpu.vector_load %arg6[%get3A_494, %get3A_495] {strides = array<i32>} : memref<3200x16xf32, #tpu.memory_space<vmem>>, vector<1x16xf32>,
        %get3A_497 = vector.shape_cast %get3A_496 : vector<1x16xf32> to vector<16xf32>
        %add3A_498 = arith.constant 11 : i32
        %add3A_499 = arith.addi %add3A_432, %add3A_498 : i32
        %get3A_500 = arith.index_cast %add3A_499 : i32 to index
        %get3A_501 = arith.constant 0 : index
        %get3A_502 = tpu.vector_load %arg6[%get3A_500, %get3A_501] {strides = array<i32>} : memref<3200x16xf32, #tpu.memory_space<vmem>>, vector<1x16xf32>,
        %get3A_503 = vector.shape_cast %get3A_502 : vector<1x16xf32> to vector<16xf32>
        %add3A_504 = arith.constant 12 : i32
        %add3A_505 = arith.addi %add3A_432, %add3A_504 : i32
        %get3A_506 = arith.index_cast %add3A_505 : i32 to index
        %get3A_507 = arith.constant 0 : index
        %get3A_508 = tpu.vector_load %arg6[%get3A_506, %get3A_507] {strides = array<i32>} : memref<3200x16xf32, #tpu.memory_space<vmem>>, vector<1x16xf32>,
        %get3A_509 = vector.shape_cast %get3A_508 : vector<1x16xf32> to vector<16xf32>
        %add3A_510 = arith.constant 13 : i32
        %add3A_511 = arith.addi %add3A_432, %add3A_510 : i32
        %get3A_512 = arith.index_cast %add3A_511 : i32 to index
        %get3A_513 = arith.constant 0 : index
        %get3A_514 = tpu.vector_load %arg6[%get3A_512, %get3A_513] {strides = array<i32>} : memref<3200x16xf32, #tpu.memory_space<vmem>>, vector<1x16xf32>,
        %get3A_515 = vector.shape_cast %get3A_514 : vector<1x16xf32> to vector<16xf32>
        %add3A_516 = arith.constant 14 : i32
        %add3A_517 = arith.addi %add3A_432, %add3A_516 : i32
        %get3A_518 = arith.index_cast %add3A_517 : i32 to index
        %get3A_519 = arith.constant 0 : index
        %get3A_520 = tpu.vector_load %arg6[%get3A_518, %get3A_519] {strides = array<i32>} : memref<3200x16xf32, #tpu.memory_space<vmem>>, vector<1x16xf32>,
        %get3A_521 = vector.shape_cast %get3A_520 : vector<1x16xf32> to vector<16xf32>
        %add3A_522 = arith.constant 15 : i32
        %add3A_523 = arith.addi %add3A_432, %add3A_522 : i32
        %get3A_524 = arith.index_cast %add3A_523 : i32 to index
        %get3A_525 = arith.constant 0 : index
        %get3A_526 = tpu.vector_load %arg6[%get3A_524, %get3A_525] {strides = array<i32>} : memref<3200x16xf32, #tpu.memory_space<vmem>>, vector<1x16xf32>,
        %get3A_527 = vector.shape_cast %get3A_526 : vector<1x16xf32> to vector<16xf32>
        %add3A_528 = arith.constant 16 : i32
        %add3A_529 = arith.addi %add3A_432, %add3A_528 : i32
        %get3A_530 = arith.index_cast %add3A_529 : i32 to index
        %get3A_531 = arith.constant 0 : index
        %get3A_532 = tpu.vector_load %arg6[%get3A_530, %get3A_531] {strides = array<i32>} : memref<3200x16xf32, #tpu.memory_space<vmem>>, vector<1x16xf32>,
        %get3A_533 = vector.shape_cast %get3A_532 : vector<1x16xf32> to vector<16xf32>
        %add3A_534 = arith.constant 17 : i32
        %add3A_535 = arith.addi %add3A_432, %add3A_534 : i32
        %get3A_536 = arith.index_cast %add3A_535 : i32 to index
        %get3A_537 = arith.constant 0 : index
        %get3A_538 = tpu.vector_load %arg6[%get3A_536, %get3A_537] {strides = array<i32>} : memref<3200x16xf32, #tpu.memory_space<vmem>>, vector<1x16xf32>,
        %get3A_539 = vector.shape_cast %get3A_538 : vector<1x16xf32> to vector<16xf32>
        %add3A_540 = arith.constant 18 : i32
        %add3A_541 = arith.addi %add3A_432, %add3A_540 : i32
        %get3A_542 = arith.index_cast %add3A_541 : i32 to index
        %get3A_543 = arith.constant 0 : index
        %get3A_544 = tpu.vector_load %arg6[%get3A_542, %get3A_543] {strides = array<i32>} : memref<3200x16xf32, #tpu.memory_space<vmem>>, vector<1x16xf32>,
        %get3A_545 = vector.shape_cast %get3A_544 : vector<1x16xf32> to vector<16xf32>
        %add3A_546 = arith.constant 19 : i32
        %add3A_547 = arith.addi %add3A_432, %add3A_546 : i32
        %get3A_548 = arith.index_cast %add3A_547 : i32 to index
        %get3A_549 = arith.constant 0 : index
        %get3A_550 = tpu.vector_load %arg6[%get3A_548, %get3A_549] {strides = array<i32>} : memref<3200x16xf32, #tpu.memory_space<vmem>>, vector<1x16xf32>,
        %get3A_551 = vector.shape_cast %get3A_550 : vector<1x16xf32> to vector<16xf32>
        %add3A_552 = arith.constant 20 : i32
        %add3A_553 = arith.addi %add3A_432, %add3A_552 : i32
        %get3A_554 = arith.index_cast %add3A_553 : i32 to index
        %get3A_555 = arith.constant 0 : index
        %get3A_556 = tpu.vector_load %arg6[%get3A_554, %get3A_555] {strides = array<i32>} : memref<3200x16xf32, #tpu.memory_space<vmem>>, vector<1x16xf32>,
        %get3A_557 = vector.shape_cast %get3A_556 : vector<1x16xf32> to vector<16xf32>
        %add3A_558 = arith.constant 21 : i32
        %add3A_559 = arith.addi %add3A_432, %add3A_558 : i32
        %get3A_560 = arith.index_cast %add3A_559 : i32 to index
        %get3A_561 = arith.constant 0 : index
        %get3A_562 = tpu.vector_load %arg6[%get3A_560, %get3A_561] {strides = array<i32>} : memref<3200x16xf32, #tpu.memory_space<vmem>>, vector<1x16xf32>,
        %get3A_563 = vector.shape_cast %get3A_562 : vector<1x16xf32> to vector<16xf32>
        %add3A_564 = arith.constant 22 : i32
        %add3A_565 = arith.addi %add3A_432, %add3A_564 : i32
        %get3A_566 = arith.index_cast %add3A_565 : i32 to index
        %get3A_567 = arith.constant 0 : index
        %get3A_568 = tpu.vector_load %arg6[%get3A_566, %get3A_567] {strides = array<i32>} : memref<3200x16xf32, #tpu.memory_space<vmem>>, vector<1x16xf32>,
        %get3A_569 = vector.shape_cast %get3A_568 : vector<1x16xf32> to vector<16xf32>
        %add3A_570 = arith.constant 23 : i32
        %add3A_571 = arith.addi %add3A_432, %add3A_570 : i32
        %get3A_572 = arith.index_cast %add3A_571 : i32 to index
        %get3A_573 = arith.constant 0 : index
        %get3A_574 = tpu.vector_load %arg6[%get3A_572, %get3A_573] {strides = array<i32>} : memref<3200x16xf32, #tpu.memory_space<vmem>>, vector<1x16xf32>,
        %get3A_575 = vector.shape_cast %get3A_574 : vector<1x16xf32> to vector<16xf32>
        %add3A_576 = arith.constant 24 : i32
        %add3A_577 = arith.addi %add3A_432, %add3A_576 : i32
        %get3A_578 = arith.index_cast %add3A_577 : i32 to index
        %get3A_579 = arith.constant 0 : index
        %get3A_580 = tpu.vector_load %arg6[%get3A_578, %get3A_579] {strides = array<i32>} : memref<3200x16xf32, #tpu.memory_space<vmem>>, vector<1x16xf32>,
        %get3A_581 = vector.shape_cast %get3A_580 : vector<1x16xf32> to vector<16xf32>
        %add3A_582 = arith.constant 25 : i32
        %add3A_583 = arith.addi %add3A_432, %add3A_582 : i32
        %get3A_584 = arith.index_cast %add3A_583 : i32 to index
        %get3A_585 = arith.constant 0 : index
        %get3A_586 = tpu.vector_load %arg6[%get3A_584, %get3A_585] {strides = array<i32>} : memref<3200x16xf32, #tpu.memory_space<vmem>>, vector<1x16xf32>,
        %get3A_587 = vector.shape_cast %get3A_586 : vector<1x16xf32> to vector<16xf32>
        %add3A_588 = arith.constant 26 : i32
        %add3A_589 = arith.addi %add3A_432, %add3A_588 : i32
        %get3A_590 = arith.index_cast %add3A_589 : i32 to index
        %get3A_591 = arith.constant 0 : index
        %get3A_592 = tpu.vector_load %arg6[%get3A_590, %get3A_591] {strides = array<i32>} : memref<3200x16xf32, #tpu.memory_space<vmem>>, vector<1x16xf32>,
        %get3A_593 = vector.shape_cast %get3A_592 : vector<1x16xf32> to vector<16xf32>
        %add3A_594 = arith.constant 27 : i32
        %add3A_595 = arith.addi %add3A_432, %add3A_594 : i32
        %get3A_596 = arith.index_cast %add3A_595 : i32 to index
        %get3A_597 = arith.constant 0 : index
        %get3A_598 = tpu.vector_load %arg6[%get3A_596, %get3A_597] {strides = array<i32>} : memref<3200x16xf32, #tpu.memory_space<vmem>>, vector<1x16xf32>,
        %get3A_599 = vector.shape_cast %get3A_598 : vector<1x16xf32> to vector<16xf32>
        %add3A_600 = arith.constant 28 : i32
        %add3A_601 = arith.addi %add3A_432, %add3A_600 : i32
        %get3A_602 = arith.index_cast %add3A_601 : i32 to index
        %get3A_603 = arith.constant 0 : index
        %get3A_604 = tpu.vector_load %arg6[%get3A_602, %get3A_603] {strides = array<i32>} : memref<3200x16xf32, #tpu.memory_space<vmem>>, vector<1x16xf32>,
        %get3A_605 = vector.shape_cast %get3A_604 : vector<1x16xf32> to vector<16xf32>
        %add3A_606 = arith.constant 29 : i32
        %add3A_607 = arith.addi %add3A_432, %add3A_606 : i32
        %get3A_608 = arith.index_cast %add3A_607 : i32 to index
        %get3A_609 = arith.constant 0 : index
        %get3A_610 = tpu.vector_load %arg6[%get3A_608, %get3A_609] {strides = array<i32>} : memref<3200x16xf32, #tpu.memory_space<vmem>>, vector<1x16xf32>,
        %get3A_611 = vector.shape_cast %get3A_610 : vector<1x16xf32> to vector<16xf32>
        %add3A_612 = arith.constant 30 : i32
        %add3A_613 = arith.addi %add3A_432, %add3A_612 : i32
        %get3A_614 = arith.index_cast %add3A_613 : i32 to index
        %get3A_615 = arith.constant 0 : index
        %get3A_616 = tpu.vector_load %arg6[%get3A_614, %get3A_615] {strides = array<i32>} : memref<3200x16xf32, #tpu.memory_space<vmem>>, vector<1x16xf32>,
        %get3A_617 = vector.shape_cast %get3A_616 : vector<1x16xf32> to vector<16xf32>
        %add3A_618 = arith.constant 31 : i32
        %add3A_619 = arith.addi %add3A_432, %add3A_618 : i32
        %get3A_620 = arith.index_cast %add3A_619 : i32 to index
        %get3A_621 = arith.constant 0 : index
        %get3A_622 = tpu.vector_load %arg6[%get3A_620, %get3A_621] {strides = array<i32>} : memref<3200x16xf32, #tpu.memory_space<vmem>>, vector<1x16xf32>,
        %get3A_623 = vector.shape_cast %get3A_622 : vector<1x16xf32> to vector<16xf32>
        %add3A_624 = arith.constant 32 : i32
        %add3A_625 = arith.addi %add3A_432, %add3A_624 : i32
        %get3A_626 = arith.index_cast %add3A_625 : i32 to index
        %get3A_627 = arith.constant 0 : index
        %get3A_628 = tpu.vector_load %arg6[%get3A_626, %get3A_627] {strides = array<i32>} : memref<3200x16xf32, #tpu.memory_space<vmem>>, vector<1x16xf32>,
        %get3A_629 = vector.shape_cast %get3A_628 : vector<1x16xf32> to vector<16xf32>
        %add3A_630 = arith.constant 33 : i32
        %add3A_631 = arith.addi %add3A_432, %add3A_630 : i32
        %get3A_632 = arith.index_cast %add3A_631 : i32 to index
        %get3A_633 = arith.constant 0 : index
        %get3A_634 = tpu.vector_load %arg6[%get3A_632, %get3A_633] {strides = array<i32>} : memref<3200x16xf32, #tpu.memory_space<vmem>>, vector<1x16xf32>,
        %get3A_635 = vector.shape_cast %get3A_634 : vector<1x16xf32> to vector<16xf32>
        %add3A_636 = arith.constant 34 : i32
        %add3A_637 = arith.addi %add3A_432, %add3A_636 : i32
        %get3A_638 = arith.index_cast %add3A_637 : i32 to index
        %get3A_639 = arith.constant 0 : index
        %get3A_640 = tpu.vector_load %arg6[%get3A_638, %get3A_639] {strides = array<i32>} : memref<3200x16xf32, #tpu.memory_space<vmem>>, vector<1x16xf32>,
        %get3A_641 = vector.shape_cast %get3A_640 : vector<1x16xf32> to vector<16xf32>
        %add3A_642 = arith.constant 35 : i32
        %add3A_643 = arith.addi %add3A_432, %add3A_642 : i32
        %get3A_644 = arith.index_cast %add3A_643 : i32 to index
        %get3A_645 = arith.constant 0 : index
        %get3A_646 = tpu.vector_load %arg6[%get3A_644, %get3A_645] {strides = array<i32>} : memref<3200x16xf32, #tpu.memory_space<vmem>>, vector<1x16xf32>,
        %get3A_647 = vector.shape_cast %get3A_646 : vector<1x16xf32> to vector<16xf32>
        %add3A_648 = arith.constant 36 : i32
        %add3A_649 = arith.addi %add3A_432, %add3A_648 : i32
        %get3A_650 = arith.index_cast %add3A_649 : i32 to index
        %get3A_651 = arith.constant 0 : index
        %get3A_652 = tpu.vector_load %arg6[%get3A_650, %get3A_651] {strides = array<i32>} : memref<3200x16xf32, #tpu.memory_space<vmem>>, vector<1x16xf32>,
        %get3A_653 = vector.shape_cast %get3A_652 : vector<1x16xf32> to vector<16xf32>
        %add3A_654 = arith.constant 37 : i32
        %add3A_655 = arith.addi %add3A_432, %add3A_654 : i32
        %get3A_656 = arith.index_cast %add3A_655 : i32 to index
        %get3A_657 = arith.constant 0 : index
        %get3A_658 = tpu.vector_load %arg6[%get3A_656, %get3A_657] {strides = array<i32>} : memref<3200x16xf32, #tpu.memory_space<vmem>>, vector<1x16xf32>,
        %get3A_659 = vector.shape_cast %get3A_658 : vector<1x16xf32> to vector<16xf32>
        %add3A_660 = arith.constant 38 : i32
        %add3A_661 = arith.addi %add3A_432, %add3A_660 : i32
        %get3A_662 = arith.index_cast %add3A_661 : i32 to index
        %get3A_663 = arith.constant 0 : index
        %get3A_664 = tpu.vector_load %arg6[%get3A_662, %get3A_663] {strides = array<i32>} : memref<3200x16xf32, #tpu.memory_space<vmem>>, vector<1x16xf32>,
        %get3A_665 = vector.shape_cast %get3A_664 : vector<1x16xf32> to vector<16xf32>
        %add3A_666 = arith.constant 39 : i32
        %add3A_667 = arith.addi %add3A_432, %add3A_666 : i32
        %get3A_668 = arith.index_cast %add3A_667 : i32 to index
        %get3A_669 = arith.constant 0 : index
        %get3A_670 = tpu.vector_load %arg6[%get3A_668, %get3A_669] {strides = array<i32>} : memref<3200x16xf32, #tpu.memory_space<vmem>>, vector<1x16xf32>,
        %get3A_671 = vector.shape_cast %get3A_670 : vector<1x16xf32> to vector<16xf32>
        %add3A_672 = arith.constant 40 : i32
        %add3A_673 = arith.addi %add3A_432, %add3A_672 : i32
        %get3A_674 = arith.index_cast %add3A_673 : i32 to index
        %get3A_675 = arith.constant 0 : index
        %get3A_676 = tpu.vector_load %arg6[%get3A_674, %get3A_675] {strides = array<i32>} : memref<3200x16xf32, #tpu.memory_space<vmem>>, vector<1x16xf32>,
        %get3A_677 = vector.shape_cast %get3A_676 : vector<1x16xf32> to vector<16xf32>
        %add3A_678 = arith.constant 41 : i32
        %add3A_679 = arith.addi %add3A_432, %add3A_678 : i32
        %get3A_680 = arith.index_cast %add3A_679 : i32 to index
        %get3A_681 = arith.constant 0 : index
        %get3A_682 = tpu.vector_load %arg6[%get3A_680, %get3A_681] {strides = array<i32>} : memref<3200x16xf32, #tpu.memory_space<vmem>>, vector<1x16xf32>,
        %get3A_683 = vector.shape_cast %get3A_682 : vector<1x16xf32> to vector<16xf32>
        %add3A_684 = arith.constant 42 : i32
        %add3A_685 = arith.addi %add3A_432, %add3A_684 : i32
        %get3A_686 = arith.index_cast %add3A_685 : i32 to index
        %get3A_687 = arith.constant 0 : index
        %get3A_688 = tpu.vector_load %arg6[%get3A_686, %get3A_687] {strides = array<i32>} : memref<3200x16xf32, #tpu.memory_space<vmem>>, vector<1x16xf32>,
        %get3A_689 = vector.shape_cast %get3A_688 : vector<1x16xf32> to vector<16xf32>
        %add3A_690 = arith.constant 43 : i32
        %add3A_691 = arith.addi %add3A_432, %add3A_690 : i32
        %get3A_692 = arith.index_cast %add3A_691 : i32 to index
        %get3A_693 = arith.constant 0 : index
        %get3A_694 = tpu.vector_load %arg6[%get3A_692, %get3A_693] {strides = array<i32>} : memref<3200x16xf32, #tpu.memory_space<vmem>>, vector<1x16xf32>,
        %get3A_695 = vector.shape_cast %get3A_694 : vector<1x16xf32> to vector<16xf32>
        %add3A_696 = arith.constant 44 : i32
        %add3A_697 = arith.addi %add3A_432, %add3A_696 : i32
        %get3A_698 = arith.index_cast %add3A_697 : i32 to index
        %get3A_699 = arith.constant 0 : index
        %get3A_700 = tpu.vector_load %arg6[%get3A_698, %get3A_699] {strides = array<i32>} : memref<3200x16xf32, #tpu.memory_space<vmem>>, vector<1x16xf32>,
        %get3A_701 = vector.shape_cast %get3A_700 : vector<1x16xf32> to vector<16xf32>
        %add3A_702 = arith.constant 45 : i32
        %add3A_703 = arith.addi %add3A_432, %add3A_702 : i32
        %get3A_704 = arith.index_cast %add3A_703 : i32 to index
        %get3A_705 = arith.constant 0 : index
        %get3A_706 = tpu.vector_load %arg6[%get3A_704, %get3A_705] {strides = array<i32>} : memref<3200x16xf32, #tpu.memory_space<vmem>>, vector<1x16xf32>,
        %get3A_707 = vector.shape_cast %get3A_706 : vector<1x16xf32> to vector<16xf32>
        %add3A_708 = arith.constant 46 : i32
        %add3A_709 = arith.addi %add3A_432, %add3A_708 : i32
        %get3A_710 = arith.index_cast %add3A_709 : i32 to index
        %get3A_711 = arith.constant 0 : index
        %get3A_712 = tpu.vector_load %arg6[%get3A_710, %get3A_711] {strides = array<i32>} : memref<3200x16xf32, #tpu.memory_space<vmem>>, vector<1x16xf32>,
        %get3A_713 = vector.shape_cast %get3A_712 : vector<1x16xf32> to vector<16xf32>
        %add3A_714 = arith.constant 47 : i32
        %add3A_715 = arith.addi %add3A_432, %add3A_714 : i32
        %get3A_716 = arith.index_cast %add3A_715 : i32 to index
        %get3A_717 = arith.constant 0 : index
        %get3A_718 = tpu.vector_load %arg6[%get3A_716, %get3A_717] {strides = array<i32>} : memref<3200x16xf32, #tpu.memory_space<vmem>>, vector<1x16xf32>,
        %get3A_719 = vector.shape_cast %get3A_718 : vector<1x16xf32> to vector<16xf32>
        %add3A_720 = arith.constant 48 : i32
        %add3A_721 = arith.addi %add3A_432, %add3A_720 : i32
        %get3A_722 = arith.index_cast %add3A_721 : i32 to index
        %get3A_723 = arith.constant 0 : index
        %get3A_724 = tpu.vector_load %arg6[%get3A_722, %get3A_723] {strides = array<i32>} : memref<3200x16xf32, #tpu.memory_space<vmem>>, vector<1x16xf32>,
        %get3A_725 = vector.shape_cast %get3A_724 : vector<1x16xf32> to vector<16xf32>
        %add3A_726 = arith.constant 49 : i32
        %add3A_727 = arith.addi %add3A_432, %add3A_726 : i32
        %get3A_728 = arith.index_cast %add3A_727 : i32 to index
        %get3A_729 = arith.constant 0 : index
        %get3A_730 = tpu.vector_load %arg6[%get3A_728, %get3A_729] {strides = array<i32>} : memref<3200x16xf32, #tpu.memory_space<vmem>>, vector<1x16xf32>,
        %get3A_731 = vector.shape_cast %get3A_730 : vector<1x16xf32> to vector<16xf32>
        %add3A_732 = arith.addf %get3A_437, %get3A_443 : vector<16xf32>
        %add3A_733 = arith.addf %get3A_449, %get3A_455 : vector<16xf32>
        %add3A_734 = arith.addf %get3A_461, %get3A_467 : vector<16xf32>
        %add3A_735 = arith.addf %get3A_473, %get3A_479 : vector<16xf32>
        %add3A_736 = arith.addf %get3A_485, %get3A_491 : vector<16xf32>
        %add3A_737 = arith.addf %get3A_497, %get3A_503 : vector<16xf32>
        %add3A_738 = arith.addf %get3A_509, %get3A_515 : vector<16xf32>
        %add3A_739 = arith.addf %get3A_521, %get3A_527 : vector<16xf32>
        %add3A_740 = arith.addf %get3A_533, %get3A_539 : vector<16xf32>
        %add3A_741 = arith.addf %get3A_545, %get3A_551 : vector<16xf32>
        %add3A_742 = arith.addf %get3A_557, %get3A_563 : vector<16xf32>
        %add3A_743 = arith.addf %get3A_569, %get3A_575 : vector<16xf32>
        %add3A_744 = arith.addf %get3A_581, %get3A_587 : vector<16xf32>
        %add3A_745 = arith.addf %get3A_593, %get3A_599 : vector<16xf32>
        %add3A_746 = arith.addf %get3A_605, %get3A_611 : vector<16xf32>
        %add3A_747 = arith.addf %get3A_617, %get3A_623 : vector<16xf32>
        %add3A_748 = arith.addf %get3A_629, %get3A_635 : vector<16xf32>
        %add3A_749 = arith.addf %get3A_641, %get3A_647 : vector<16xf32>
        %add3A_750 = arith.addf %get3A_653, %get3A_659 : vector<16xf32>
        %add3A_751 = arith.addf %get3A_665, %get3A_671 : vector<16xf32>
        %add3A_752 = arith.addf %get3A_677, %get3A_683 : vector<16xf32>
        %add3A_753 = arith.addf %get3A_689, %get3A_695 : vector<16xf32>
        %add3A_754 = arith.addf %get3A_701, %get3A_707 : vector<16xf32>
        %add3A_755 = arith.addf %get3A_713, %get3A_719 : vector<16xf32>
        %add3A_756 = arith.addf %get3A_725, %get3A_731 : vector<16xf32>
        %add3A_757 = arith.addf %add3A_732, %add3A_733 : vector<16xf32>
        %add3A_758 = arith.addf %add3A_734, %add3A_735 : vector<16xf32>
        %add3A_759 = arith.addf %add3A_736, %add3A_737 : vector<16xf32>
        %add3A_760 = arith.addf %add3A_738, %add3A_739 : vector<16xf32>
        %add3A_761 = arith.addf %add3A_740, %add3A_741 : vector<16xf32>
        %add3A_762 = arith.addf %add3A_742, %add3A_743 : vector<16xf32>
        %add3A_763 = arith.addf %add3A_744, %add3A_745 : vector<16xf32>
        %add3A_764 = arith.addf %add3A_746, %add3A_747 : vector<16xf32>
        %add3A_765 = arith.addf %add3A_748, %add3A_749 : vector<16xf32>
        %add3A_766 = arith.addf %add3A_750, %add3A_751 : vector<16xf32>
        %add3A_767 = arith.addf %add3A_752, %add3A_753 : vector<16xf32>
        %add3A_768 = arith.addf %add3A_754, %add3A_755 : vector<16xf32>
        %add3A_769 = arith.addf %add3A_757, %add3A_758 : vector<16xf32>
        %add3A_770 = arith.addf %add3A_759, %add3A_760 : vector<16xf32>
        %add3A_771 = arith.addf %add3A_761, %add3A_762 : vector<16xf32>
        %add3A_772 = arith.addf %add3A_763, %add3A_764 : vector<16xf32>
        %add3A_773 = arith.addf %add3A_765, %add3A_766 : vector<16xf32>
        %add3A_774 = arith.addf %add3A_767, %add3A_768 : vector<16xf32>
        %add3A_775 = arith.addf %add3A_769, %add3A_770 : vector<16xf32>
        %add3A_776 = arith.addf %add3A_771, %add3A_772 : vector<16xf32>
        %add3A_777 = arith.addf %add3A_773, %add3A_774 : vector<16xf32>
        %add3A_778 = arith.addf %add3A_775, %add3A_776 : vector<16xf32>
        %add3A_779 = arith.addf %add3A_777, %add3A_756 : vector<16xf32>
        %add3A_780 = arith.addf %add3A_778, %add3A_779 : vector<16xf32>
        %swap3A = arith.index_cast %scan3A_428 : i32 to index
        %swap3A_781 = arith.constant 0 : index
        %swap3A_782 = tpu.vector_load %arg7[%swap3A, %swap3A_781] {strides = array<i32>} : memref<32x16xf32, #tpu.memory_space<vmem>>, vector<1x16xf32>,
        %swap3A_783 = vector.shape_cast %swap3A_782 : vector<1x16xf32> to vector<16xf32>
        %swap3A_784 = vector.shape_cast %add3A_780 : vector<16xf32> to vector<1x16xf32>
        tpu.vector_store %arg7[%swap3A, %swap3A_781], %swap3A_784 {strides = array<i32>} : memref<32x16xf32, #tpu.memory_space<vmem>>, vector<1x16xf32>,
      }
      %scan3A_421 = arith.constant 32 : i32
      %mul3A_422 = arith.constant 512 : i32
      %mul3A_423 = arith.muli %add3A, %mul3A_422 : i32
      %mul3A_424 = arith.constant 32 : i32
      %mul3A_425 = arith.muli %add3A_415, %mul3A_424 : i32
      %add3A_426 = arith.addi %mul3A_423, %mul3A_425 : i32
      %multiple_of3A_427 = tpu.assume_multiple %add3A_426, 32 : i32
      "tpu.region"() ({
        %run_scoped3A = tpu.sem_alloc : memref<!tpu.dma_semaphore, #tpu.memory_space<semaphore_mem>>
        %dma_start3A_428 = arith.constant 0 : i32
        %dma_start3A_429 = tpu.memref_slice %arg4[%multiple_of3A_427, %dma_start3A_428] : memref<16384x16xf32, #tpu.memory_space<hbm>> -> memref<32x16xf32, #tpu.memory_space<hbm>>
        %dma_start3A_430 = arith.constant 0 : i32
        %dma_start3A_431 = tpu.memref_slice %arg4[%multiple_of3A_427, %dma_start3A_430] : memref<16384x16xf32, #tpu.memory_space<hbm>> -> memref<32x16xf32, #tpu.memory_space<hbm>>
        tpu.enqueue_dma source(%arg7 : memref<32x16xf32, #tpu.memory_space<vmem>>) target(%dma_start3A_431 : memref<32x16xf32, #tpu.memory_space<hbm>>) target_semaphore(%run_scoped3A : memref<!tpu.dma_semaphore, #tpu.memory_space<semaphore_mem>>)
        %dma_wait3A_432 = arith.constant 0 : i32
        %dma_wait3A_433 = tpu.memref_slice %arg4[%multiple_of3A_427, %dma_wait3A_432] : memref<16384x16xf32, #tpu.memory_space<hbm>> -> memref<32x16xf32, #tpu.memory_space<hbm>>
        %dma_wait3A_434 = arith.constant 0 : i32
        %dma_wait3A_435 = tpu.memref_slice %arg4[%multiple_of3A_427, %dma_wait3A_434] : memref<16384x16xf32, #tpu.memory_space<hbm>> -> memref<32x16xf32, #tpu.memory_space<hbm>>
        tpu.wait_dma2 semaphore(%run_scoped3A : memref<!tpu.dma_semaphore, #tpu.memory_space<semaphore_mem>>) src(%arg7 : memref<32x16xf32, #tpu.memory_space<vmem>>) dst(%dma_wait3A_435 : memref<32x16xf32, #tpu.memory_space<hbm>>)
        tpu.yield
      }) : () -> ()
    }
    %scan3A_188 = arith.constant 8 : i32
    return
  }
}

module attributes {stable_mosaic.version = 14 : i64} {
  func.func @_mlp_body(%arg0: i32, %arg1: memref<8x1000x64xf32, #tpu.memory_space<vmem>>, %arg2: memref<128x256xf32, #tpu.memory_space<vmem>>, %arg3: memref<1x256xf32, #tpu.memory_space<vmem>>, %arg4: memref<256x256xf32, #tpu.memory_space<vmem>>, %arg5: memref<1x256xf32, #tpu.memory_space<vmem>>, %arg6: memref<1024x128xf32, #tpu.memory_space<vmem>>, %arg7: memref<1x128xf32, #tpu.memory_space<vmem>>, %arg8: memref<128000xf32, #tpu.memory_space<vmem>>) attributes {dimension_semantics = [#tpu.dimension_semantics<arbitrary>], iteration_bounds = array<i64: 125>, scalar_prefetch = 0 : i64, scratch_operands = 0 : i64, tpu.core_type = #tpu.core_type<tc>, window_params = [{transform_indices = @transform_0, window_bounds = array<i64: 8, 1000, 64>}, {pipeline_mode = #tpu.pipeline_mode<synchronous>, transform_indices = @transform_1, window_bounds = array<i64: 128, 256>}, {pipeline_mode = #tpu.pipeline_mode<synchronous>, transform_indices = @transform_2, window_bounds = array<i64: 1, 256>}, {pipeline_mode = #tpu.pipeline_mode<synchronous>, transform_indices = @transform_3, window_bounds = array<i64: 256, 256>}, {pipeline_mode = #tpu.pipeline_mode<synchronous>, transform_indices = @transform_4, window_bounds = array<i64: 1, 256>}, {pipeline_mode = #tpu.pipeline_mode<synchronous>, transform_indices = @transform_5, window_bounds = array<i64: 1024, 128>}, {pipeline_mode = #tpu.pipeline_mode<synchronous>, transform_indices = @transform_6, window_bounds = array<i64: 1, 128>}, {transform_indices = @transform_7, window_bounds = array<i64: 128000>}]} {
    %get3A = arith.constant 0 : index
    %get3A_0 = arith.constant 0 : index
    %get3A_1 = arith.constant 0 : index
    %get3A_2 = vector.load %arg1[%get3A, %get3A_0, %get3A_1] : memref<8x1000x64xf32, #tpu.memory_space<vmem>>, vector<1x1000x64xf32>
    %get3A_3 = vector.shape_cast %get3A_2 : vector<1x1000x64xf32> to vector<1000x64xf32>
    %get3A_4 = arith.constant 1 : index
    %get3A_5 = arith.constant 0 : index
    %get3A_6 = arith.constant 0 : index
    %get3A_7 = vector.load %arg1[%get3A_4, %get3A_5, %get3A_6] : memref<8x1000x64xf32, #tpu.memory_space<vmem>>, vector<1x1000x64xf32>
    %get3A_8 = vector.shape_cast %get3A_7 : vector<1x1000x64xf32> to vector<1000x64xf32>
    %concatenate3A = tpu.concatenate %get3A_3, %get3A_8 in 1 : vector<1000x64xf32>, vector<1000x64xf32> -> vector<1000x128xf32>
    %get3A_9 = arith.constant 0 : index
    %get3A_10 = arith.constant 0 : index
    %get3A_11 = vector.load %arg2[%get3A_9, %get3A_10] : memref<128x256xf32, #tpu.memory_space<vmem>>, vector<128x256xf32>
    %convert_element_type3A = arith.truncf %concatenate3A : vector<1000x128xf32> to vector<1000x128xbf16>
    %convert_element_type3A_12 = arith.truncf %get3A_11 : vector<128x256xf32> to vector<128x256xbf16>
    %dot_general3A = arith.constant dense<0.000000e+00> : vector<1000x256xf32>
    %dot_general3A_13 = tpu.matmul %convert_element_type3A, %convert_element_type3A_12, %dot_general3A {dimension_numbers = #tpu.dot_dimension_numbers<[1], [0], [0], [1], [0, 0, 1, 1], [], []>, transpose_lhs_hint = false} : vector<1000x128xbf16>, vector<128x256xbf16>, vector<1000x256xf32> -> vector<1000x256xf32>
    %get3A_14 = arith.constant 0 : index
    %get3A_15 = arith.constant 0 : index
    %get3A_16 = vector.load %arg3[%get3A_14, %get3A_15] : memref<1x256xf32, #tpu.memory_space<vmem>>, vector<1x256xf32>
    %add3A = vector.broadcast %get3A_16 : vector<1x256xf32> to vector<1000x256xf32>
    %add3A_17 = arith.addf %dot_general3A_13, %add3A : vector<1000x256xf32>
    %tanh3A = math.tanh %add3A_17 : vector<1000x256xf32>
    %get3A_18 = arith.constant 0 : index
    %get3A_19 = arith.constant 0 : index
    %get3A_20 = vector.load %arg4[%get3A_18, %get3A_19] : memref<256x256xf32, #tpu.memory_space<vmem>>, vector<256x256xf32>
    %convert_element_type3A_21 = arith.truncf %tanh3A : vector<1000x256xf32> to vector<1000x256xbf16>
    %convert_element_type3A_22 = arith.truncf %get3A_20 : vector<256x256xf32> to vector<256x256xbf16>
    %dot_general3A_23 = arith.constant dense<0.000000e+00> : vector<1000x256xf32>
    %dot_general3A_24 = tpu.matmul %convert_element_type3A_21, %convert_element_type3A_22, %dot_general3A_23 {dimension_numbers = #tpu.dot_dimension_numbers<[1], [0], [0], [1], [0, 0, 1, 1], [], []>, transpose_lhs_hint = false} : vector<1000x256xbf16>, vector<256x256xbf16>, vector<1000x256xf32> -> vector<1000x256xf32>
    %get3A_25 = arith.constant 0 : index
    %get3A_26 = arith.constant 0 : index
    %get3A_27 = vector.load %arg5[%get3A_25, %get3A_26] : memref<1x256xf32, #tpu.memory_space<vmem>>, vector<1x256xf32>
    %add3A_28 = vector.broadcast %get3A_27 : vector<1x256xf32> to vector<1000x256xf32>
    %add3A_29 = arith.addf %dot_general3A_24, %add3A_28 : vector<1000x256xf32>
    %tanh3A_30 = math.tanh %add3A_29 : vector<1000x256xf32>
    %get3A_31 = arith.constant 2 : index
    %get3A_32 = arith.constant 0 : index
    %get3A_33 = arith.constant 0 : index
    %get3A_34 = vector.load %arg1[%get3A_31, %get3A_32, %get3A_33] : memref<8x1000x64xf32, #tpu.memory_space<vmem>>, vector<1x1000x64xf32>
    %get3A_35 = vector.shape_cast %get3A_34 : vector<1x1000x64xf32> to vector<1000x64xf32>
    %get3A_36 = arith.constant 3 : index
    %get3A_37 = arith.constant 0 : index
    %get3A_38 = arith.constant 0 : index
    %get3A_39 = vector.load %arg1[%get3A_36, %get3A_37, %get3A_38] : memref<8x1000x64xf32, #tpu.memory_space<vmem>>, vector<1x1000x64xf32>
    %get3A_40 = vector.shape_cast %get3A_39 : vector<1x1000x64xf32> to vector<1000x64xf32>
    %concatenate3A_41 = tpu.concatenate %get3A_35, %get3A_40 in 1 : vector<1000x64xf32>, vector<1000x64xf32> -> vector<1000x128xf32>
    %get3A_42 = arith.constant 0 : index
    %get3A_43 = arith.constant 0 : index
    %get3A_44 = vector.load %arg2[%get3A_42, %get3A_43] : memref<128x256xf32, #tpu.memory_space<vmem>>, vector<128x256xf32>
    %convert_element_type3A_45 = arith.truncf %concatenate3A_41 : vector<1000x128xf32> to vector<1000x128xbf16>
    %convert_element_type3A_46 = arith.truncf %get3A_44 : vector<128x256xf32> to vector<128x256xbf16>
    %dot_general3A_47 = arith.constant dense<0.000000e+00> : vector<1000x256xf32>
    %dot_general3A_48 = tpu.matmul %convert_element_type3A_45, %convert_element_type3A_46, %dot_general3A_47 {dimension_numbers = #tpu.dot_dimension_numbers<[1], [0], [0], [1], [0, 0, 1, 1], [], []>, transpose_lhs_hint = false} : vector<1000x128xbf16>, vector<128x256xbf16>, vector<1000x256xf32> -> vector<1000x256xf32>
    %get3A_49 = arith.constant 0 : index
    %get3A_50 = arith.constant 0 : index
    %get3A_51 = vector.load %arg3[%get3A_49, %get3A_50] : memref<1x256xf32, #tpu.memory_space<vmem>>, vector<1x256xf32>
    %add3A_52 = vector.broadcast %get3A_51 : vector<1x256xf32> to vector<1000x256xf32>
    %add3A_53 = arith.addf %dot_general3A_48, %add3A_52 : vector<1000x256xf32>
    %tanh3A_54 = math.tanh %add3A_53 : vector<1000x256xf32>
    %get3A_55 = arith.constant 0 : index
    %get3A_56 = arith.constant 0 : index
    %get3A_57 = vector.load %arg4[%get3A_55, %get3A_56] : memref<256x256xf32, #tpu.memory_space<vmem>>, vector<256x256xf32>
    %convert_element_type3A_58 = arith.truncf %tanh3A_54 : vector<1000x256xf32> to vector<1000x256xbf16>
    %convert_element_type3A_59 = arith.truncf %get3A_57 : vector<256x256xf32> to vector<256x256xbf16>
    %dot_general3A_60 = arith.constant dense<0.000000e+00> : vector<1000x256xf32>
    %dot_general3A_61 = tpu.matmul %convert_element_type3A_58, %convert_element_type3A_59, %dot_general3A_60 {dimension_numbers = #tpu.dot_dimension_numbers<[1], [0], [0], [1], [0, 0, 1, 1], [], []>, transpose_lhs_hint = false} : vector<1000x256xbf16>, vector<256x256xbf16>, vector<1000x256xf32> -> vector<1000x256xf32>
    %get3A_62 = arith.constant 0 : index
    %get3A_63 = arith.constant 0 : index
    %get3A_64 = vector.load %arg5[%get3A_62, %get3A_63] : memref<1x256xf32, #tpu.memory_space<vmem>>, vector<1x256xf32>
    %add3A_65 = vector.broadcast %get3A_64 : vector<1x256xf32> to vector<1000x256xf32>
    %add3A_66 = arith.addf %dot_general3A_61, %add3A_65 : vector<1000x256xf32>
    %tanh3A_67 = math.tanh %add3A_66 : vector<1000x256xf32>
    %get3A_68 = arith.constant 4 : index
    %get3A_69 = arith.constant 0 : index
    %get3A_70 = arith.constant 0 : index
    %get3A_71 = vector.load %arg1[%get3A_68, %get3A_69, %get3A_70] : memref<8x1000x64xf32, #tpu.memory_space<vmem>>, vector<1x1000x64xf32>
    %get3A_72 = vector.shape_cast %get3A_71 : vector<1x1000x64xf32> to vector<1000x64xf32>
    %get3A_73 = arith.constant 5 : index
    %get3A_74 = arith.constant 0 : index
    %get3A_75 = arith.constant 0 : index
    %get3A_76 = vector.load %arg1[%get3A_73, %get3A_74, %get3A_75] : memref<8x1000x64xf32, #tpu.memory_space<vmem>>, vector<1x1000x64xf32>
    %get3A_77 = vector.shape_cast %get3A_76 : vector<1x1000x64xf32> to vector<1000x64xf32>
    %concatenate3A_78 = tpu.concatenate %get3A_72, %get3A_77 in 1 : vector<1000x64xf32>, vector<1000x64xf32> -> vector<1000x128xf32>
    %get3A_79 = arith.constant 0 : index
    %get3A_80 = arith.constant 0 : index
    %get3A_81 = vector.load %arg2[%get3A_79, %get3A_80] : memref<128x256xf32, #tpu.memory_space<vmem>>, vector<128x256xf32>
    %convert_element_type3A_82 = arith.truncf %concatenate3A_78 : vector<1000x128xf32> to vector<1000x128xbf16>
    %convert_element_type3A_83 = arith.truncf %get3A_81 : vector<128x256xf32> to vector<128x256xbf16>
    %dot_general3A_84 = arith.constant dense<0.000000e+00> : vector<1000x256xf32>
    %dot_general3A_85 = tpu.matmul %convert_element_type3A_82, %convert_element_type3A_83, %dot_general3A_84 {dimension_numbers = #tpu.dot_dimension_numbers<[1], [0], [0], [1], [0, 0, 1, 1], [], []>, transpose_lhs_hint = false} : vector<1000x128xbf16>, vector<128x256xbf16>, vector<1000x256xf32> -> vector<1000x256xf32>
    %get3A_86 = arith.constant 0 : index
    %get3A_87 = arith.constant 0 : index
    %get3A_88 = vector.load %arg3[%get3A_86, %get3A_87] : memref<1x256xf32, #tpu.memory_space<vmem>>, vector<1x256xf32>
    %add3A_89 = vector.broadcast %get3A_88 : vector<1x256xf32> to vector<1000x256xf32>
    %add3A_90 = arith.addf %dot_general3A_85, %add3A_89 : vector<1000x256xf32>
    %tanh3A_91 = math.tanh %add3A_90 : vector<1000x256xf32>
    %get3A_92 = arith.constant 0 : index
    %get3A_93 = arith.constant 0 : index
    %get3A_94 = vector.load %arg4[%get3A_92, %get3A_93] : memref<256x256xf32, #tpu.memory_space<vmem>>, vector<256x256xf32>
    %convert_element_type3A_95 = arith.truncf %tanh3A_91 : vector<1000x256xf32> to vector<1000x256xbf16>
    %convert_element_type3A_96 = arith.truncf %get3A_94 : vector<256x256xf32> to vector<256x256xbf16>
    %dot_general3A_97 = arith.constant dense<0.000000e+00> : vector<1000x256xf32>
    %dot_general3A_98 = tpu.matmul %convert_element_type3A_95, %convert_element_type3A_96, %dot_general3A_97 {dimension_numbers = #tpu.dot_dimension_numbers<[1], [0], [0], [1], [0, 0, 1, 1], [], []>, transpose_lhs_hint = false} : vector<1000x256xbf16>, vector<256x256xbf16>, vector<1000x256xf32> -> vector<1000x256xf32>
    %get3A_99 = arith.constant 0 : index
    %get3A_100 = arith.constant 0 : index
    %get3A_101 = vector.load %arg5[%get3A_99, %get3A_100] : memref<1x256xf32, #tpu.memory_space<vmem>>, vector<1x256xf32>
    %add3A_102 = vector.broadcast %get3A_101 : vector<1x256xf32> to vector<1000x256xf32>
    %add3A_103 = arith.addf %dot_general3A_98, %add3A_102 : vector<1000x256xf32>
    %tanh3A_104 = math.tanh %add3A_103 : vector<1000x256xf32>
    %get3A_105 = arith.constant 6 : index
    %get3A_106 = arith.constant 0 : index
    %get3A_107 = arith.constant 0 : index
    %get3A_108 = vector.load %arg1[%get3A_105, %get3A_106, %get3A_107] : memref<8x1000x64xf32, #tpu.memory_space<vmem>>, vector<1x1000x64xf32>
    %get3A_109 = vector.shape_cast %get3A_108 : vector<1x1000x64xf32> to vector<1000x64xf32>
    %get3A_110 = arith.constant 7 : index
    %get3A_111 = arith.constant 0 : index
    %get3A_112 = arith.constant 0 : index
    %get3A_113 = vector.load %arg1[%get3A_110, %get3A_111, %get3A_112] : memref<8x1000x64xf32, #tpu.memory_space<vmem>>, vector<1x1000x64xf32>
    %get3A_114 = vector.shape_cast %get3A_113 : vector<1x1000x64xf32> to vector<1000x64xf32>
    %concatenate3A_115 = tpu.concatenate %get3A_109, %get3A_114 in 1 : vector<1000x64xf32>, vector<1000x64xf32> -> vector<1000x128xf32>
    %get3A_116 = arith.constant 0 : index
    %get3A_117 = arith.constant 0 : index
    %get3A_118 = vector.load %arg2[%get3A_116, %get3A_117] : memref<128x256xf32, #tpu.memory_space<vmem>>, vector<128x256xf32>
    %convert_element_type3A_119 = arith.truncf %concatenate3A_115 : vector<1000x128xf32> to vector<1000x128xbf16>
    %convert_element_type3A_120 = arith.truncf %get3A_118 : vector<128x256xf32> to vector<128x256xbf16>
    %dot_general3A_121 = arith.constant dense<0.000000e+00> : vector<1000x256xf32>
    %dot_general3A_122 = tpu.matmul %convert_element_type3A_119, %convert_element_type3A_120, %dot_general3A_121 {dimension_numbers = #tpu.dot_dimension_numbers<[1], [0], [0], [1], [0, 0, 1, 1], [], []>, transpose_lhs_hint = false} : vector<1000x128xbf16>, vector<128x256xbf16>, vector<1000x256xf32> -> vector<1000x256xf32>
    %get3A_123 = arith.constant 0 : index
    %get3A_124 = arith.constant 0 : index
    %get3A_125 = vector.load %arg3[%get3A_123, %get3A_124] : memref<1x256xf32, #tpu.memory_space<vmem>>, vector<1x256xf32>
    %add3A_126 = vector.broadcast %get3A_125 : vector<1x256xf32> to vector<1000x256xf32>
    %add3A_127 = arith.addf %dot_general3A_122, %add3A_126 : vector<1000x256xf32>
    %tanh3A_128 = math.tanh %add3A_127 : vector<1000x256xf32>
    %get3A_129 = arith.constant 0 : index
    %get3A_130 = arith.constant 0 : index
    %get3A_131 = vector.load %arg4[%get3A_129, %get3A_130] : memref<256x256xf32, #tpu.memory_space<vmem>>, vector<256x256xf32>
    %convert_element_type3A_132 = arith.truncf %tanh3A_128 : vector<1000x256xf32> to vector<1000x256xbf16>
    %convert_element_type3A_133 = arith.truncf %get3A_131 : vector<256x256xf32> to vector<256x256xbf16>
    %dot_general3A_134 = arith.constant dense<0.000000e+00> : vector<1000x256xf32>
    %dot_general3A_135 = tpu.matmul %convert_element_type3A_132, %convert_element_type3A_133, %dot_general3A_134 {dimension_numbers = #tpu.dot_dimension_numbers<[1], [0], [0], [1], [0, 0, 1, 1], [], []>, transpose_lhs_hint = false} : vector<1000x256xbf16>, vector<256x256xbf16>, vector<1000x256xf32> -> vector<1000x256xf32>
    %get3A_136 = arith.constant 0 : index
    %get3A_137 = arith.constant 0 : index
    %get3A_138 = vector.load %arg5[%get3A_136, %get3A_137] : memref<1x256xf32, #tpu.memory_space<vmem>>, vector<1x256xf32>
    %add3A_139 = vector.broadcast %get3A_138 : vector<1x256xf32> to vector<1000x256xf32>
    %add3A_140 = arith.addf %dot_general3A_135, %add3A_139 : vector<1000x256xf32>
    %tanh3A_141 = math.tanh %add3A_140 : vector<1000x256xf32>
    %concatenate3A_142 = tpu.concatenate %tanh3A_30, %tanh3A_67, %tanh3A_104, %tanh3A_141 in 1 : vector<1000x256xf32>, vector<1000x256xf32>, vector<1000x256xf32>, vector<1000x256xf32> -> vector<1000x1024xf32>
    %get3A_143 = arith.constant 0 : index
    %get3A_144 = arith.constant 0 : index
    %get3A_145 = vector.load %arg6[%get3A_143, %get3A_144] : memref<1024x128xf32, #tpu.memory_space<vmem>>, vector<1024x128xf32>
    %convert_element_type3A_146 = arith.truncf %concatenate3A_142 : vector<1000x1024xf32> to vector<1000x1024xbf16>
    %convert_element_type3A_147 = arith.truncf %get3A_145 : vector<1024x128xf32> to vector<1024x128xbf16>
    %dot_general3A_148 = arith.constant dense<0.000000e+00> : vector<1000x128xf32>
    %dot_general3A_149 = tpu.matmul %convert_element_type3A_146, %convert_element_type3A_147, %dot_general3A_148 {dimension_numbers = #tpu.dot_dimension_numbers<[1], [0], [0], [1], [0, 0, 1, 1], [], []>, transpose_lhs_hint = false} : vector<1000x1024xbf16>, vector<1024x128xbf16>, vector<1000x128xf32> -> vector<1000x128xf32>
    %get3A_150 = arith.constant 0 : index
    %get3A_151 = arith.constant 0 : index
    %get3A_152 = vector.load %arg7[%get3A_150, %get3A_151] : memref<1x128xf32, #tpu.memory_space<vmem>>, vector<1x128xf32>
    %add3A_153 = vector.broadcast %get3A_152 : vector<1x128xf32> to vector<1000x128xf32>
    %add3A_154 = arith.addf %dot_general3A_149, %add3A_153 : vector<1000x128xf32>
    %reshape3A = vector.shape_cast %add3A_154 : vector<1000x128xf32> to vector<128000xf32>
    %swap3A = arith.constant 0 : index
    %swap3A_155 = vector.load %arg8[%swap3A] : memref<128000xf32, #tpu.memory_space<vmem>>, vector<128000xf32>
    tpu.vector_store %arg8[%swap3A], %reshape3A {strides = array<i32>} : memref<128000xf32, #tpu.memory_space<vmem>>, vector<128000xf32>,
    return
  }
  func.func @transform_0(%arg0: i32) -> (i32, i32, i32) {
    %c0_i32 = arith.constant 0 : i32
    %c0_i32_0 = arith.constant 0 : i32
    %c0_i32_1 = arith.constant 0 : i32
    return %c0_i32, %arg0, %c0_i32_0 : i32, i32, i32
  }
  func.func @transform_1(%arg0: i32) -> (i32, i32) {
    %c0_i32 = arith.constant 0 : i32
    %c0_i32_0 = arith.constant 0 : i32
    %c0_i32_1 = arith.constant 0 : i32
    return %c0_i32, %c0_i32_0 : i32, i32
  }
  func.func @transform_2(%arg0: i32) -> (i32, i32) {
    %c0_i32 = arith.constant 0 : i32
    %c0_i32_0 = arith.constant 0 : i32
    %c0_i32_1 = arith.constant 0 : i32
    return %c0_i32, %c0_i32_0 : i32, i32
  }
  func.func @transform_3(%arg0: i32) -> (i32, i32) {
    %c0_i32 = arith.constant 0 : i32
    %c0_i32_0 = arith.constant 0 : i32
    %c0_i32_1 = arith.constant 0 : i32
    return %c0_i32, %c0_i32_0 : i32, i32
  }
  func.func @transform_4(%arg0: i32) -> (i32, i32) {
    %c0_i32 = arith.constant 0 : i32
    %c0_i32_0 = arith.constant 0 : i32
    %c0_i32_1 = arith.constant 0 : i32
    return %c0_i32, %c0_i32_0 : i32, i32
  }
  func.func @transform_5(%arg0: i32) -> (i32, i32) {
    %c0_i32 = arith.constant 0 : i32
    %c0_i32_0 = arith.constant 0 : i32
    %c0_i32_1 = arith.constant 0 : i32
    return %c0_i32, %c0_i32_0 : i32, i32
  }
  func.func @transform_6(%arg0: i32) -> (i32, i32) {
    %c0_i32 = arith.constant 0 : i32
    %c0_i32_0 = arith.constant 0 : i32
    %c0_i32_1 = arith.constant 0 : i32
    return %c0_i32, %c0_i32_0 : i32, i32
  }
  func.func @transform_7(%arg0: i32) -> i32 {
    %c0_i32 = arith.constant 0 : i32
    return %arg0 : i32
  }
}

</mosaic_0001>

<sc_bundles>
// kernel: kernel.4.cloned.1.call-start
scs
__scs_entry_jumppad:
0x0: {  	(pc) =	sbr.rel $0x88, $3  }
0x1: {  	(tag) =	ssettag $0x0;
	lr =	simm.s32 $0x1  }
0x2: {  	[smem:$0x3F99] =	sst lr;
	_ =	strace $0xD0000000  }
0x3: {  	_ = 	snop  }
0x4: {  	_ = 	snop  }
0x5: {  	_ = 	snop  }
0x6: {  	_ = 	snop  }
0x7: {  	_ = 	snop  }
__scs_overlays_trampoline_lowered:
0x8: {  	[smem:$0x3FA8] =	sst s0  }
0x9: {  	[smem:$0x3FA9] =	sst s1  }
0xa: {  	[smem:$0x3FAA] =	sst s2  }
0xb: {  	[smem:$0x3FAB] =	sst s3  }
0xc: {  	[smem:$0x3FAC] =	sst s4  }
0xd: {  	[smem:$0x3FAD] =	sst s5  }
0xe: {  	[smem:$0x3FAE] =	sst s6  }
0xf: {  	[smem:$0x3FAF] =	sst s7  }
0x10: {  	[smem:$0x3FB0] =	sst s8  }
0x11: {  	[smem:$0x3FB1] =	sst s9;
	s0 =	simm.s32 @!p0 $0x0  }
0x12: {  	s1 =	sld [smem:$0x3F97];
	s0 =	simm.s32 @p0 $0x1  }
0x13: {  	[smem:$0x3FB2] =	sst s0;
	s0 =	simm.s32 @!p1 $0x0  }
0x14: {  	s2 =	sld [smem:$0x3F96];
	s0 =	simm.s32 @p1 $0x1  }
0x15: {  	[smem:$0x3FB3] =	sst s0;
	s0 =	simm.s32 @!p2 $0x0  }
0x16: {  	s3 =	sld [smem:$0x3FDB];
	s0 =	simm.s32 @p2 $0x1  }
0x17: {  	s4 =	simm.s32 $0x1BF5;
	[smem:$0x3FB5] =	sst s0  }
0x18: {  	s0 =	sld [smem:$0x3F98];
	_ =	swait.ge [sflag:s4], $0x0  }
0x19: {  	s7 =	sld [smem:$0x3F99]  }
0x1a: {  	s8 =	sadd.s32 $0xFFFFE003, lr  }
0x1b: {  	s9 =	sadd.s32 $0xFFFFFEF7, lr;
	s5 =	simm.s32 $0xFFFFFFFF;
	p2 =	slt.u32 s8, $0xFFFFF086  }
0x1c: {  	p1 =	slt.u32 s9, $0xF7A;
	s5 =	simm.s32 @!p2 $0x0  }
0x1d: {  	s5 =	simm.s32 @p1 $0x1;
	p0 =	seq.s32 s7, s2  }
0x1e: {  	s7 =	smul.u32 @!p0 $0xF7A, s2;
	p2 =	seq.s32 @!p0 s5, $0x0  }
0x1f: {  	s9 =	smul.u32 $0xF7A, s1;
	s8 =	simm.s32 @!p0 $0x1BF5;
	p2 =	por !p2, p0  }
0x20: {  	[sflag:s8] =	ssyncset.s32 @!p0 $0xFFFFF086;
	s6 =	sadd.s32 @!p0 s3, s7;
	s7 =	simm.s32 @!p0 $0x108  }
0x21: {  	s3 =	sadd.s32 s3, s9;
	s6 =	sadd.s32 @!p0 $0x88, s6;
	s7 =	simm.s32 @p2 $0x1082  }
0x22: {  	[simem:s7], [sflag:s8] =	dma.local @!p0 [hbm:s6], $0xF7A  }
0x23: {  	s9 =	sor.u32 $0xD0000000, s2;
	s6 =	simm.s32 $0x108;
	_ =	swait.ge @!p0 [sflag:s8], $0x0  }
0x24: {  	s3 =	sadd.s32 $0x88, s3;
	s6 =	simm.s32 @!p1 $0x1082;
	[sflag:s4] =	ssyncset.s32 $0xFFFFF086  }
0x25: {  	[simem:s6], [sflag:s4] =	dma.local [hbm:s3], $0xF7A  }
0x26: {  	[smem:$0x3F99] =	sst s1;
	(tag) =	ssettag s2;
	_ =	strace s9  }
0x27: {  	s1 =	sld [smem:$0x3FA9]  }
0x28: {  	s2 =	sld [smem:$0x3FAA]  }
0x29: {  	s4 =	sld [smem:$0x3FAC]  }
0x2a: {  	p0 =	seq.s32 s5, $0x0;
	s5 =	sld [smem:$0x3FAD]  }
0x2b: {  	s6 =	sld [smem:$0x3FAE]  }
0x2c: {  	s7 =	sld [smem:$0x3FAF]  }
0x2d: {  	s3 =	simm.s32 $0x108;
	s8 =	sld [smem:$0x3FB0]  }
0x2e: {  	s3 =	simm.s32 @!p0 $0x1082;
	s9 =	sld [smem:$0x3FB1]  }
0x2f: {  	lr =	sadd.s32 s0, s3;
	s0 =	sld [smem:$0x3FA8]  }
0x30: {  	s3 =	sld [smem:$0x3FAB]  }
0x31: {  	[smem:$0x3FB4] =	sst s10  }
0x32: {  	s10 =	sld [smem:$0x3FB2];
	_ =	sdelay $0x3  }
0x33: {  	p0 =	seq.s32 s10, $0x1;
	s10 =	sld [smem:$0x3FB4];
	_ =	sdelay $0x3  }
0x34: {  	[smem:$0x3FB4] =	sst s10  }
0x35: {  	s10 =	sld [smem:$0x3FB3];
	_ =	sdelay $0x3  }
0x36: {  	p1 =	seq.s32 s10, $0x1;
	s10 =	sld [smem:$0x3FB4];
	_ =	sdelay $0x3  }
0x37: {  	[smem:$0x3FB4] =	sst s10  }
0x38: {  	s10 =	sld [smem:$0x3FB5]  }
0x39: {  	_ = 	snop;
	(pc) =	sbr.ind lr, $3  }
0x3a: {  	_ = 	snop  }
0x3b: {  	_ = 	snop  }
0x3c: {  	p2 =	seq.s32 s10, $0x1;
	s10 =	sld [smem:$0x3FB4]  }
0x3d: {  	_ =	shalt  }
0x3e: {  	_ =	shalt  }
0x3f: {  	_ =	shalt  }
0x40: {  	_ =	shalt  }
0x41: {  	_ =	shalt  }
0x42: {  	_ =	shalt  }
0x43: {  	_ =	shalt  }
0x44: {  	_ =	shalt  }
0x45: {  	_ =	shalt  }
0x46: {  	_ =	shalt  }
0x47: {  	_ =	shalt  }
0x48: {  	_ =	shalt  }
0x49: {  	_ =	shalt  }
0x4a: {  	_ =	shalt  }
0x4b: {  	_ =	shalt  }
0x4c: {  	_ =	shalt  }
0x4d: {  	_ =	shalt  }
0x4e: {  	_ =	shalt  }
0x4f: {  	_ =	shalt  }
0x50: {  	_ =	shalt  }
0x51: {  	_ =	shalt  }
0x52: {  	_ =	shalt  }
0x53: {  	_ =	shalt  }
0x54: {  	_ =	shalt  }
0x55: {  	_ =	shalt  }
0x56: {  	_ =	shalt  }
0x57: {  	_ =	shalt  }
0x58: {  	_ =	shalt  }
0x59: {  	_ =	shalt  }
0x5a: {  	_ =	shalt  }
0x5b: {  	_ =	shalt  }
0x5c: {  	_ =	shalt  }
0x5d: {  	_ =	shalt  }
0x5e: {  	_ =	shalt  }
0x5f: {  	_ =	shalt  }
0x60: {  	_ =	shalt  }
0x61: {  	_ =	shalt  }
0x62: {  	_ =	shalt  }
0x63: {  	_ =	shalt  }
0x64: {  	_ =	shalt  }
0x65: {  	_ =	shalt  }
0x66: {  	_ =	shalt  }
0x67: {  	_ =	shalt  }
0x68: {  	_ =	shalt  }
0x69: {  	_ =	shalt  }
0x6a: {  	_ =	shalt  }
0x6b: {  	_ =	shalt  }
0x6c: {  	_ =	shalt  }
0x6d: {  	_ =	shalt  }
0x6e: {  	_ =	shalt  }
0x6f: {  	_ =	shalt  }
0x70: {  	_ =	shalt  }
0x71: {  	_ =	shalt  }
0x72: {  	_ =	shalt  }
0x73: {  	_ =	shalt  }
0x74: {  	_ =	shalt  }
0x75: {  	_ =	shalt  }
0x76: {  	_ =	shalt  }
0x77: {  	_ =	shalt  }
0x78: {  	_ =	shalt  }
0x79: {  	_ =	shalt  }
0x7a: {  	_ =	shalt  }
0x7b: {  	_ =	shalt  }
0x7c: {  	_ =	shalt  }
0x7d: {  	_ =	shalt  }
0x7e: {  	_ =	shalt  }
0x7f: {  	_ =	shalt  }
0x80: {  	_ =	shalt  }
0x81: {  	_ =	shalt  }
0x82: {  	_ =	shalt  }
0x83: {  	_ =	shalt  }
0x84: {  	_ =	shalt  }
0x85: {  	_ =	shalt  }
0x86: {  	_ =	shalt  }
0x87: {  	_ =	shalt  }
.Lfunc_end0:
.L_simem_size_0:
called_computation_lowered:
.L_overlay_start_0:
0x88: {  	s2 =	sld [smem:$0x3FD9]  }
0x89: {  	s3 =	sld [smem:$0x3FFE];
	_ =	sdelay $0x1  }
0x8a: {  	s1 =	srdreg.scid  }
0x8b: {  	s0 =	sand.u32 $0x1, s1  }
0x8c: {  	s16 =	sshll.u32 s0, $0xA;
	s2 =	sadd.s32 s3, s2  }
0x8d: {  	s2 =	sadd.s32 s2, s16  }
0x8e: {  	[smem:$0x3FC0] =	sst s2  }
0x8f: {  	_ = 	snop  }
0x90: {  	(tm) =	ssettm $0x1  }
0x91: {  	s17 =	sld [smem:$0x3FFB];
	_ =	sdelay $0x3  }
0x92: {  	_ =	strace s17  }
0x93: {  	s2 =	sld [smem:$0x3FFC];
	_ =	sdelay $0x3  }
0x94: {  	_ =	strace s2  }
0x95: {  	s2 =	sld [smem:$0x3FFD];
	_ =	sdelay $0x3  }
0x96: {  	_ =	strace s2  }
0x97: {  	_ =	strace $0x8FFFFFFF  }
0x98: {  	s18 =	sld [smem:$0x3FDB];
	_ =	sdelay $0x1  }
0x99: {  	s19 =	simm.s32 $_scs_section_size  }
0x9a: {  	s4 =	simm.s32 $_size__tile_overlayer_lowered;
	s5 =	simm.s32 $_tile_overlayer_lowered  }
0x9b: {  	s22 =	simm.s32 $0x1BFF;
	s21 =	sshll.u32 s5, $0x1;
	s2 =	sadd.s32 s19, s18  }
0x9c: {  	s6 =	simm.s32 $0x0;
	s20 =	sshll.u32 s4, $0x1;
	s4 =	sadd.s32 s21, s2  }
0x9d: {  	[timem:s6], [sflag:s22] =	dma.local [hbm:s4], s20  }
0x9e: {  	_ =	swait.ge [sflag:s22], s20  }
0x9f: {  	s3 =	ssub.s32 $0x0, s20;
	[sflag:s22] =	ssyncset.done $0x0  }
0xa0: {  	[sflag:s22] =	ssyncadd.s32 s3;
	_ =	sdelay $0x1  }
0xa1: {  	s23 =	simm.s32 $0x1B8B  }
0xa2: {  	_ =	swait.ge [sflag:s23], $0x1  }
0xa3: {  	[sflag:s23] =	ssyncset.done $0x0  }
0xa4: {  	s25 =	simm.s32 $0x1B8E;
	s24 =	sld [smem:$0x3FFE];
	[sflag:s23] =	ssyncadd.s32 $0xFFFFFFFF  }
0xa5: {  	s26 =	simm.s32 $execute0_lowered;
	[smem:$0x3FD2] =	sst s25  }
0xa6: {  	s4 =	sshll.u32 s26, $0x1;
	_ =	strace $0x80000046;
	[dreg:$0x1] =	wrdreg $0xFFFFFFFF  }
0xa7: {  	s28 =	simm.s32 $_size_execute0_lowered;
	s2 =	sadd.s32 s2, s4;
	[dreg:$0x0] =	wrdreg $0x0  }
0xa8: {  	s4 =	sshll.u32 s28, $0x1;
	[dreg:$0x2] =	wrdreg s2  }
0xa9: {  	[dreg:$0x3] =	wrdreg s4  }
0xaa: {  	[dreg:$0x4] =	wrdreg $0xC0  }
0xab: {  	_ =	task [dreg:s6], $0x5FFFF  }
0xac: {  	[dreg:$0x1] =	wrdreg $0xFFFFFFFF  }
0xad: {  	[dreg:$0x0] =	wrdreg $0x60  }
0xae: {  	[dreg:$0x2] =	wrdreg s24  }
0xaf: {  	[dreg:$0x3] =	wrdreg $0x9  }
0xb0: {  	_ =	task.clear_ibuf [dreg:s6], $0x4FFFF;
	_ =	strace $0x90000046  }
0xb1: {  	s29 =	simm.s32 $0x9;
	_ =	strace $0x80000048  }
0xb2: {  	_ =	swait.ge [sflag:s29], $0x1  }
0xb3: {  	[sflag:s29] =	ssyncadd.s32 $0xFFFFFFFF  }
0xb4: {  	_ =	strace $0x90000048  }
0xb5: {  	_ =	sfence  }
0xb6: {  	s30 =	sld [smem:$0x0];
	_ =	sdelay $0x2  }
0xb7: {  	s31 =	sshll.u32 s1, $0xD;
	s1 =	sshrl.u32 s1, $0x2  }
0xb8: {  	s3 =	sand.u32 $0x4000, s31;
	s1 =	sadd.s32 s1, s30  }
0xb9: {  	s0 =	sor.u32 s3, s0;
	s1 =	sshll.u32 s1, $0x11  }
0xba: {  	s0 =	sor.u32 s1, s0  }
0xbb: {  	s0 =	sadd.s32 $0x8F2B, s0  }
0xbc: {  	[sflag:s0] =	ssyncadd.remote.s32 $0x1  }
0xbd: {  	_ =	sfence.sel $0xFFFF  }
0xbe: {  	[dreg:$0x0] =	wrdreg $0xFFFFFFFF;
	(pc) =	sbr.abs _section_cstart, $3  }
0xbf: {  	[dreg:$0x1] =	wrdreg $0xFFFFFFFF  }
0xc0: {  	_ =	task.clear_ibuf [dreg:s6], $0x2FFFF;
	_ =	strace $0x9FFFFFFF  }
0xc1: {  	(tm) =	ssettm $0x7FFFFFFF  }
tec
execute0_lowered:
.L_overlay_start_1:
0x0: {  	(tag) =	ssettag $0x1  }
0x1: {  	s0 =	srdreg.scid  }
0x2: {  	s2 =	stileid.u32;
	s1 =	rddreg [dreg:$0x0]  }
0x3: {  	s7 =	simm.s32 $0x3;
	s8 =	simm.s32 $0x50;
	s28 =	simm.s32 $0xDC00  }
0x4: {  	s29 =	simm.s32 $0xE100;
	s30 =	simm.s32 $0xE600;
	s31 =	simm.s32 $0xEB00  }
0x5: {  	s9 =	simm.s32 $0xFA00;
	s10 =	simm.s32 $0xFF00;
	s11 =	simm.s32 $0x10400  }
0x6: {  	s12 =	simm.s32 $0x10900;
	s13 =	simm.s32 $0x10E00;
	s14 =	simm.s32 $0x11300  }
0x7: {  	s15 =	simm.s32 $0x11800;
	s16 =	simm.s32 $0x11D00;
	s17 =	simm.s32 $0x12200  }
0x8: {  	s18 =	simm.s32 $0x12700;
	s19 =	simm.s32 $0x1;
	s20 =	simm.s32 $0x12C00  }
0x9: {  	s0 =	sand.u32 $0x1, s0;
	s3 =	sshll.u32 s2, $0x1;
	s2 =	simm.s32 $0x0  }
0xa: {  	s21 =	simm.s32 $0x2;
	s4 =	sor.u32 s0, s3;
	[smem:$0x7FF] =	sst s2  }
0xb: {  	s3 =	sadd.s32 $0xF5D200, s1;
	s0 =	ssub.s32 $0x2, s0;
	s5 =	smul.u32 $0xC80, s4  }
0xc: {  	_ =	strace $0x80000047;
	s4 =	sshll.u32 s4, $0xA;
	s6 =	sshrl.u32 s0, $0x1  }
0xd: {  	s0 =	ssub.s32 s0, s6;
	s6 =	simm.s32 $0x0;
	s5 =	sadd.s32 s5, s1  }
0xe: {  	s1 =	sadd.s32 s4, s1;
	s0 =	smax.u32 s0, $0x1;
	s26 =	sadd.s32 $0xF44200, s5  }
0xf: {  	s5 =	sadd.s32 $0x1600, s1;
	[dreg:$0x3] =	wrdreg s0;
	s1 =	simm.s32 $0xF000  }
0x10: {  	s0 =	simm.s32 $0xF500;
	[dreg:$0x2] =	wrdreg s26;
	s26 =	simm.s32 $0xD700  }
.LBB2_1:
0x11: {  	[dreg:$0x4] =	wrdreg s6  }
0x12: {  	s4 =	rddreg [dreg:$0x2]  }
0x13: {  	[tilespmem:s2], [sflag:$0x3] =	stream.linear.gather [hbm4b:s4+s2], $0x6400, $0x38;
	[tilespmem:$0x12E00] =	vst v63  }
0x14: {  	_ =	swait.ge [sflag:s7], $0x6400  }
0x15: {  	[sflag:s7] =	ssyncset.done $0x0  }
0x16: {  	s25 =	simm.s32 $0x6400;
	[sflag:s7] =	ssyncadd.s32 $0xFFFF9C00  }
0x17: {  	[tilespmem:s25], [sflag:$0x1] =	stream.indirect.gather [hbm4b:s3+s8], $0x10, s2, s8, $0xb8;
	[tilespmem:$0x12E00] =	vst v63  }
0x18: {  	s6 =	simm.s32 $0x6900  }
0x19: {  	[tilespmem:s6], [sflag:$0x1] =	stream.indirect.gather [hbm4b:s3+s8], $0x10, s8, s8, $0xb8;
	[tilespmem:$0x12E00] =	vst v63  }
0x1a: {  	s22 =	simm.s32 $0xA0;
	s23 =	simm.s32 $0x6E00  }
0x1b: {  	[tilespmem:s23], [sflag:$0x1] =	stream.indirect.gather [hbm4b:s3+s8], $0x10, s22, s8, $0xb8;
	[tilespmem:$0x12E00] =	vst v63  }
0x1c: {  	s24 =	simm.s32 $0xF0;
	s25 =	simm.s32 $0x7300  }
0x1d: {  	[tilespmem:s25], [sflag:$0x1] =	stream.indirect.gather [hbm4b:s3+s8], $0x10, s24, s8, $0xb8;
	[tilespmem:$0x12E00] =	vst v63  }
0x1e: {  	s22 =	simm.s32 $0x140;
	s23 =	simm.s32 $0x7800  }
0x1f: {  	[tilespmem:s23], [sflag:$0x1] =	stream.indirect.gather [hbm4b:s3+s8], $0x10, s22, s8, $0xb8;
	[tilespmem:$0x12E00] =	vst v63  }
0x20: {  	s24 =	simm.s32 $0x190;
	s25 =	simm.s32 $0x7D00  }
0x21: {  	[tilespmem:s25], [sflag:$0x1] =	stream.indirect.gather [hbm4b:s3+s8], $0x10, s24, s8, $0xb8;
	[tilespmem:$0x12E00] =	vst v63  }
0x22: {  	s22 =	simm.s32 $0x1E0;
	s23 =	simm.s32 $0x8200  }
0x23: {  	[tilespmem:s23], [sflag:$0x1] =	stream.indirect.gather [hbm4b:s3+s8], $0x10, s22, s8, $0xb8;
	[tilespmem:$0x12E00] =	vst v63  }
0x24: {  	s24 =	simm.s32 $0x230;
	s25 =	simm.s32 $0x8700  }
0x25: {  	[tilespmem:s25], [sflag:$0x1] =	stream.indirect.gather [hbm4b:s3+s8], $0x10, s24, s8, $0xb8;
	[tilespmem:$0x12E00] =	vst v63  }
0x26: {  	s22 =	simm.s32 $0x280;
	s23 =	simm.s32 $0x8C00  }
0x27: {  	[tilespmem:s23], [sflag:$0x1] =	stream.indirect.gather [hbm4b:s3+s8], $0x10, s22, s8, $0xb8;
	[tilespmem:$0x12E00] =	vst v63  }
0x28: {  	s24 =	simm.s32 $0x2D0;
	s25 =	simm.s32 $0x9100  }
0x29: {  	[tilespmem:s25], [sflag:$0x1] =	stream.indirect.gather [hbm4b:s3+s8], $0x10, s24, s8, $0xb8;
	[tilespmem:$0x12E00] =	vst v63  }
0x2a: {  	s22 =	simm.s32 $0x320;
	s23 =	simm.s32 $0x9600  }
0x2b: {  	[tilespmem:s23], [sflag:$0x1] =	stream.indirect.gather [hbm4b:s3+s8], $0x10, s22, s8, $0xb8;
	[tilespmem:$0x12E00] =	vst v63  }
0x2c: {  	s24 =	simm.s32 $0x370;
	s25 =	simm.s32 $0x9B00  }
0x2d: {  	[tilespmem:s25], [sflag:$0x1] =	stream.indirect.gather [hbm4b:s3+s8], $0x10, s24, s8, $0xb8;
	[tilespmem:$0x12E00] =	vst v63  }
0x2e: {  	s22 =	simm.s32 $0x3C0;
	s23 =	simm.s32 $0xA000  }
0x2f: {  	[tilespmem:s23], [sflag:$0x1] =	stream.indirect.gather [hbm4b:s3+s8], $0x10, s22, s8, $0xb8;
	[tilespmem:$0x12E00] =	vst v63  }
0x30: {  	s24 =	simm.s32 $0x410;
	s25 =	simm.s32 $0xA500  }
0x31: {  	[tilespmem:s25], [sflag:$0x1] =	stream.indirect.gather [hbm4b:s3+s8], $0x10, s24, s8, $0xb8;
	[tilespmem:$0x12E00] =	vst v63  }
0x32: {  	s22 =	simm.s32 $0x460;
	s23 =	simm.s32 $0xAA00  }
0x33: {  	[tilespmem:s23], [sflag:$0x1] =	stream.indirect.gather [hbm4b:s3+s8], $0x10, s22, s8, $0xb8;
	[tilespmem:$0x12E00] =	vst v63  }
0x34: {  	s24 =	simm.s32 $0x4B0;
	s25 =	simm.s32 $0xAF00  }
0x35: {  	[tilespmem:s25], [sflag:$0x1] =	stream.indirect.gather [hbm4b:s3+s8], $0x10, s24, s8, $0xb8;
	[tilespmem:$0x12E00] =	vst v63  }
0x36: {  	s22 =	simm.s32 $0x500;
	s23 =	simm.s32 $0xB400  }
0x37: {  	[tilespmem:s23], [sflag:$0x1] =	stream.indirect.gather [hbm4b:s3+s8], $0x10, s22, s8, $0xb8;
	[tilespmem:$0x12E00] =	vst v63  }
0x38: {  	s24 =	simm.s32 $0x550;
	s25 =	simm.s32 $0xB900  }
0x39: {  	[tilespmem:s25], [sflag:$0x1] =	stream.indirect.gather [hbm4b:s3+s8], $0x10, s24, s8, $0xb8;
	[tilespmem:$0x12E00] =	vst v63  }
0x3a: {  	s22 =	simm.s32 $0x5A0;
	s23 =	simm.s32 $0xBE00  }
0x3b: {  	[tilespmem:s23], [sflag:$0x1] =	stream.indirect.gather [hbm4b:s3+s8], $0x10, s22, s8, $0xb8;
	[tilespmem:$0x12E00] =	vst v63  }
0x3c: {  	s4 =	simm.s32 $0x0;
	s24 =	simm.s32 $0x5F0;
	s25 =	simm.s32 $0xC300  }
0x3d: {  	[tilespmem:s25], [sflag:$0x1] =	stream.indirect.gather [hbm4b:s3+s8], $0x10, s24, s8, $0xb8;
	[tilespmem:$0x12E00] =	vst v63  }
.LBB2_2:
0x3e: {  	s6 =	sshllo.u32 s4, $0x1  }
0x3f: {  	s22 =	smul.u32 $0x1900, s6;
	_ =	sdelay $0x1  }
0x40: {  	s23 =	simm.s32 $0xC800;
	s22 =	sshra.s32 s22, $0x2  }
0x41: {  	[tilespmem:s23], [sflag:$0x2] =	stream.indirect.gather [hbm4b:s3+s8], $0x10, s22, s8, $0xb8;
	[tilespmem:$0x12E00] =	vst v63  }
0x42: {  	s24 =	simm.s32 $0xCD00;
	s25 =	sadd.s32 $0x50, s22  }
0x43: {  	[tilespmem:s24], [sflag:$0x2] =	stream.indirect.gather [hbm4b:s3+s8], $0x10, s25, s8, $0xb8;
	[tilespmem:$0x12E00] =	vst v63  }
0x44: {  	s24 =	sadd.s32 $0xA0, s22;
	s25 =	simm.s32 $0xD200  }
0x45: {  	[tilespmem:s25], [sflag:$0x2] =	stream.indirect.gather [hbm4b:s3+s8], $0x10, s24, s8, $0xb8;
	[tilespmem:$0x12E00] =	vst v63  }
0x46: {  	s24 =	sadd.s32 $0xF0, s22  }
0x47: {  	[tilespmem:s26], [sflag:$0x2] =	stream.indirect.gather [hbm4b:s3+s8], $0x10, s24, s8, $0xb8;
	[tilespmem:$0x12E00] =	vst v63  }
0x48: {  	s25 =	sadd.s32 $0x140, s22  }
0x49: {  	[tilespmem:s28], [sflag:$0x2] =	stream.indirect.gather [hbm4b:s3+s8], $0x10, s25, s8, $0xb8;
	[tilespmem:$0x12E00] =	vst v63  }
0x4a: {  	s24 =	sadd.s32 $0x190, s22  }
0x4b: {  	[tilespmem:s29], [sflag:$0x2] =	stream.indirect.gather [hbm4b:s3+s8], $0x10, s24, s8, $0xb8;
	[tilespmem:$0x12E00] =	vst v63  }
0x4c: {  	s25 =	sadd.s32 $0x1E0, s22  }
0x4d: {  	[tilespmem:s30], [sflag:$0x2] =	stream.indirect.gather [hbm4b:s3+s8], $0x10, s25, s8, $0xb8;
	[tilespmem:$0x12E00] =	vst v63  }
0x4e: {  	s24 =	sadd.s32 $0x230, s22  }
0x4f: {  	[tilespmem:s31], [sflag:$0x2] =	stream.indirect.gather [hbm4b:s3+s8], $0x10, s24, s8, $0xb8;
	[tilespmem:$0x12E00] =	vst v63  }
0x50: {  	s25 =	sadd.s32 $0x280, s22  }
0x51: {  	[tilespmem:s1], [sflag:$0x2] =	stream.indirect.gather [hbm4b:s3+s8], $0x10, s25, s8, $0xb8;
	[tilespmem:$0x12E00] =	vst v63  }
0x52: {  	s24 =	sadd.s32 $0x2D0, s22  }
0x53: {  	[tilespmem:s0], [sflag:$0x2] =	stream.indirect.gather [hbm4b:s3+s8], $0x10, s24, s8, $0xb8;
	[tilespmem:$0x12E00] =	vst v63  }
0x54: {  	s25 =	sadd.s32 $0x320, s22  }
0x55: {  	[tilespmem:s9], [sflag:$0x2] =	stream.indirect.gather [hbm4b:s3+s8], $0x10, s25, s8, $0xb8;
	[tilespmem:$0x12E00] =	vst v63  }
0x56: {  	s24 =	sadd.s32 $0x370, s22  }
0x57: {  	[tilespmem:s10], [sflag:$0x2] =	stream.indirect.gather [hbm4b:s3+s8], $0x10, s24, s8, $0xb8;
	[tilespmem:$0x12E00] =	vst v63  }
0x58: {  	s25 =	sadd.s32 $0x3C0, s22  }
0x59: {  	[tilespmem:s11], [sflag:$0x2] =	stream.indirect.gather [hbm4b:s3+s8], $0x10, s25, s8, $0xb8;
	[tilespmem:$0x12E00] =	vst v63  }
0x5a: {  	s24 =	sadd.s32 $0x410, s22  }
0x5b: {  	[tilespmem:s12], [sflag:$0x2] =	stream.indirect.gather [hbm4b:s3+s8], $0x10, s24, s8, $0xb8;
	[tilespmem:$0x12E00] =	vst v63  }
0x5c: {  	s25 =	sadd.s32 $0x460, s22  }
0x5d: {  	[tilespmem:s13], [sflag:$0x2] =	stream.indirect.gather [hbm4b:s3+s8], $0x10, s25, s8, $0xb8;
	[tilespmem:$0x12E00] =	vst v63  }
0x5e: {  	s24 =	sadd.s32 $0x4B0, s22  }
0x5f: {  	[tilespmem:s14], [sflag:$0x2] =	stream.indirect.gather [hbm4b:s3+s8], $0x10, s24, s8, $0xb8;
	[tilespmem:$0x12E00] =	vst v63  }
0x60: {  	s25 =	sadd.s32 $0x500, s22  }
0x61: {  	[tilespmem:s15], [sflag:$0x2] =	stream.indirect.gather [hbm4b:s3+s8], $0x10, s25, s8, $0xb8;
	[tilespmem:$0x12E00] =	vst v63  }
0x62: {  	s24 =	sadd.s32 $0x550, s22  }
0x63: {  	[tilespmem:s16], [sflag:$0x2] =	stream.indirect.gather [hbm4b:s3+s8], $0x10, s24, s8, $0xb8;
	[tilespmem:$0x12E00] =	vst v63  }
0x64: {  	s25 =	sadd.s32 $0x5A0, s22  }
0x65: {  	[tilespmem:s17], [sflag:$0x2] =	stream.indirect.gather [hbm4b:s3+s8], $0x10, s25, s8, $0xb8;
	[tilespmem:$0x12E00] =	vst v63  }
0x66: {  	s22 =	sadd.s32 $0x5F0, s22  }
0x67: {  	[tilespmem:s18], [sflag:$0x2] =	stream.indirect.gather [hbm4b:s3+s8], $0x10, s22, s8, $0xb8;
	[tilespmem:$0x12E00] =	vst v63  }
0x68: {  	_ =	swait.ge [sflag:s19], $0x6400  }
0x69: {  	[sflag:s19] =	ssyncset.done $0x0  }
0x6a: {  	s22 =	simm.s32 $0x6590;
	[sflag:s19] =	ssyncadd.s32 $0xFFFF9C00  }
0x6b: {  	v4 =	vld [tilespmem:s22+$0xFFFFFE80]  }
0x6c: {  	v5 =	vld [tilespmem:s22+$0xFFFFFE70]  }
0x6d: {  	v6 =	vld [tilespmem:s22+$0xFFFFFE90]  }
0x6e: {  	v7 =	vld [tilespmem:s22+$0xFFFFFEA0]  }
0x6f: {  	v8 =	vld [tilespmem:s22+$0xFFFFFEB0]  }
0x70: {  	v9 =	vld [tilespmem:s22+$0xFFFFFEC0]  }
0x71: {  	v10 =	vld [tilespmem:s22+$0xFFFFFED0]  }
0x72: {  	v11 =	vld [tilespmem:s22+$0xFFFFFEE0]  }
0x73: {  	v12 =	vld [tilespmem:s22+$0xFFFFFEF0]  }
0x74: {  	v13 =	vld [tilespmem:s22+$0xFFFFFF00]  }
0x75: {  	v14 =	vld [tilespmem:s22+$0xFFFFFF10]  }
0x76: {  	v15 =	vld [tilespmem:s22+$0xFFFFFF20]  }
0x77: {  	v16 =	vld [tilespmem:s22+$0xFFFFFF30]  }
0x78: {  	v17 =	vld [tilespmem:s22+$0xFFFFFF40]  }
0x79: {  	v18 =	vld [tilespmem:s22+$0xFFFFFF50]  }
0x7a: {  	v19 =	vld [tilespmem:s22+$0xFFFFFF60]  }
0x7b: {  	v20 =	vld [tilespmem:s22+$0xFFFFFF70]  }
0x7c: {  	v21 =	vld [tilespmem:s22+$0xFFFFFF80]  }
0x7d: {  	v22 =	vld [tilespmem:s22+$0xFFFFFF90]  }
0x7e: {  	v23 =	vld [tilespmem:s22+$0xFFFFFFA0]  }
0x7f: {  	v24 =	vld [tilespmem:s22+$0xFFFFFFB0]  }
0x80: {  	v25 =	vld [tilespmem:s22+$0xFFFFFFC0]  }
0x81: {  	v26 =	vld [tilespmem:s22+$0xFFFFFFD0]  }
0x82: {  	v27 =	vld [tilespmem:s22+$0xFFFFFFE0]  }
0x83: {  	v28 =	vld [tilespmem:s22+$0xFFFFFFF0]  }
0x84: {  	v29 =	vld [tilespmem:s22+$0x0]  }
0x85: {  	v30 =	vld [tilespmem:s22+$0x10]  }
0x86: {  	v31 =	vld [tilespmem:s22+$0x20]  }
0x87: {  	v32 =	vld [tilespmem:s22+$0x30]  }
0x88: {  	v33 =	vld [tilespmem:s22+$0x40]  }
0x89: {  	v34 =	vld [tilespmem:s22+$0x50]  }
0x8a: {  	v35 =	vld [tilespmem:s22+$0x60]  }
0x8b: {  	v0 =	vld [tilespmem:s22+$0x70]  }
0x8c: {  	v1 =	vld [tilespmem:s22+$0x80]  }
0x8d: {  	v2 =	vld [tilespmem:s22+$0x90]  }
0x8e: {  	v3 =	vld [tilespmem:s22+$0xA0]  }
0x8f: {  	v4 =	vadd.f32 v4, v5;
	v6 =	vadd.f32 v7, v6;
	v5 =	vld [tilespmem:s22+$0xB0]  }
0x90: {  	v36 =	vadd.f32 v9, v8;
	v10 =	vadd.f32 v11, v10;
	v7 =	vld [tilespmem:s22+$0xC0]  }
0x91: {  	v11 =	vadd.f32 v13, v12;
	v12 =	vadd.f32 v15, v14;
	v8 =	vld [tilespmem:s22+$0xD0]  }
0x92: {  	v13 =	vadd.f32 v17, v16;
	v14 =	vadd.f32 v19, v18;
	v9 =	vld [tilespmem:s22+$0xE0]  }
0x93: {  	v16 =	vadd.f32 v21, v20;
	v17 =	vadd.f32 v23, v22;
	v18 =	vld [tilespmem:s22+$0x150]  }
0x94: {  	v24 =	vadd.f32 v25, v24;
	v63 =	vadd.f32 v27, v26;
	v19 =	vld [tilespmem:s22+$0x160]  }
0x95: {  	v4 =	vadd.f32 v6, v4;
	v6 =	vadd.f32 v10, v36;
	v10 =	vld [tilespmem:s22+$0xF0]  }
0x96: {  	v20 =	vadd.f32 v29, v28;
	v15 =	vadd.f32 v12, v11;
	v11 =	vld [tilespmem:s22+$0x100]  }
0x97: {  	v21 =	vadd.f32 v31, v30;
	v13 =	vadd.f32 v14, v13;
	v12 =	vld [tilespmem:s22+$0x110]  }
0x98: {  	v22 =	vadd.f32 v33, v32;
	v23 =	vadd.f32 v35, v34;
	v14 =	vld [tilespmem:s22+$0x130]  }
0x99: {  	v4 =	vadd.f32 v6, v4;
	v6 =	vadd.f32 v13, v15;
	v13 =	vld [tilespmem:s22+$0x120]  }
0x9a: {  	s23 =	simm.s32 $0x0;
	s24 =	simm.s32 $0x40;
	v16 =	vadd.f32 v17, v16;
	v17 =	vadd.f32 v63, v24;
	v15 =	vld [tilespmem:s22+$0x140]  }
.LBB2_3:
0x9b: {  	p0 =	sne.s32 s24, $0x7C0;
	v20 =	vadd.f32 v21, v20;
	v21 =	vadd.f32 v23, v22  }
0x9c: {  	v0 =	vadd.f32 v1, v0;
	v1 =	vadd.f32 v3, v2  }
0x9d: {  	v2 =	vadd.f32 v7, v5;
	v3 =	vadd.f32 v9, v8  }
0x9e: {  	v7 =	vadd.f32 v11, v10;
	v8 =	vadd.f32 v13, v12;
	v5 =	vld [tilespmem:s22+$0x170]  }
0x9f: {  	v10 =	vadd.f32 v15, v14;
	v9 =	vld [tilespmem:s22+$0x180];
	v11 =	vadd.f32 v19, v18  }
0xa0: {  	v0 =	vadd.f32 v1, v0;
	v1 =	vadd.f32 v3, v2  }
0xa1: {  	v2 =	vadd.f32 v8, v7;
	v3 =	vadd.f32 v11, v10  }
0xa2: {  	v7 =	vadd.f32 v17, v16;
	v8 =	vadd.f32 v21, v20  }
0xa3: {  	v0 =	vadd.f32 v1, v0;
	v1 =	vadd.f32 v3, v2  }
0xa4: {  	v3 =	vadd.f32 v6, v4;
	v2 =	vadd.f32 v9, v5  }
0xa5: {  	v4 =	vadd.f32 v8, v7;
	v0 =	vadd.f32 v1, v0;
	_ =	sdelay $0x1  }
0xa6: {  	v1 =	vadd.f32 v4, v3;
	v0 =	vadd.f32 v0, v2;
	_ =	sdelay $0x1  }
0xa7: {  	v0 =	vadd.f32 v0, v1  }
0xa8: {  	s25 =	sshra.s32 s23, $0x2;
	s23 =	smov.u32 s24  }
0xa9: {  	s22 =	sadd.s32 $0x320, s22;
	[tilespmem:s25+$0x12C00] =	vst v0  }
0xaa: {  	v4 =	vld [tilespmem:s22+$0xFFFFFE80]  }
0xab: {  	v5 =	vld [tilespmem:s22+$0xFFFFFE70]  }
0xac: {  	v6 =	vld [tilespmem:s22+$0xFFFFFE90]  }
0xad: {  	v7 =	vld [tilespmem:s22+$0xFFFFFEA0]  }
0xae: {  	v8 =	vld [tilespmem:s22+$0xFFFFFEB0]  }
0xaf: {  	v9 =	vld [tilespmem:s22+$0xFFFFFEC0]  }
0xb0: {  	v10 =	vld [tilespmem:s22+$0xFFFFFED0]  }
0xb1: {  	v11 =	vld [tilespmem:s22+$0xFFFFFEE0]  }
0xb2: {  	v12 =	vld [tilespmem:s22+$0xFFFFFEF0]  }
0xb3: {  	v13 =	vld [tilespmem:s22+$0xFFFFFF00]  }
0xb4: {  	v14 =	vld [tilespmem:s22+$0xFFFFFF10]  }
0xb5: {  	v15 =	vld [tilespmem:s22+$0xFFFFFF20]  }
0xb6: {  	v16 =	vld [tilespmem:s22+$0xFFFFFF30]  }
0xb7: {  	v17 =	vld [tilespmem:s22+$0xFFFFFF40]  }
0xb8: {  	v18 =	vld [tilespmem:s22+$0xFFFFFF50]  }
0xb9: {  	v19 =	vld [tilespmem:s22+$0xFFFFFF60]  }
0xba: {  	v20 =	vld [tilespmem:s22+$0xFFFFFF70]  }
0xbb: {  	v21 =	vld [tilespmem:s22+$0xFFFFFF80]  }
0xbc: {  	v22 =	vld [tilespmem:s22+$0xFFFFFF90]  }
0xbd: {  	v23 =	vld [tilespmem:s22+$0xFFFFFFA0]  }
0xbe: {  	v24 =	vld [tilespmem:s22+$0xFFFFFFB0]  }
0xbf: {  	v25 =	vld [tilespmem:s22+$0xFFFFFFC0]  }
0xc0: {  	v26 =	vld [tilespmem:s22+$0xFFFFFFD0]  }
0xc1: {  	v27 =	vld [tilespmem:s22+$0xFFFFFFE0]  }
0xc2: {  	v28 =	vld [tilespmem:s22+$0xFFFFFFF0]  }
0xc3: {  	v29 =	vld [tilespmem:s22+$0x0]  }
0xc4: {  	v30 =	vld [tilespmem:s22+$0x10]  }
0xc5: {  	v31 =	vld [tilespmem:s22+$0x20]  }
0xc6: {  	v32 =	vld [tilespmem:s22+$0x30]  }
0xc7: {  	v33 =	vld [tilespmem:s22+$0x40]  }
0xc8: {  	v34 =	vld [tilespmem:s22+$0x50]  }
0xc9: {  	v35 =	vld [tilespmem:s22+$0x60]  }
0xca: {  	v0 =	vld [tilespmem:s22+$0x70]  }
0xcb: {  	v1 =	vld [tilespmem:s22+$0x80]  }
0xcc: {  	v2 =	vld [tilespmem:s22+$0x90]  }
0xcd: {  	v4 =	vadd.f32 v4, v5;
	v6 =	vadd.f32 v7, v6;
	v3 =	vld [tilespmem:s22+$0xA0]  }
0xce: {  	v36 =	vadd.f32 v9, v8;
	v10 =	vadd.f32 v11, v10;
	v5 =	vld [tilespmem:s22+$0xB0]  }
0xcf: {  	v11 =	vadd.f32 v13, v12;
	v12 =	vadd.f32 v15, v14;
	v7 =	vld [tilespmem:s22+$0xC0]  }
0xd0: {  	v13 =	vadd.f32 v17, v16;
	v14 =	vadd.f32 v19, v18;
	v8 =	vld [tilespmem:s22+$0xD0]  }
0xd1: {  	v4 =	vadd.f32 v6, v4;
	v6 =	vadd.f32 v10, v36;
	v9 =	vld [tilespmem:s22+$0xE0]  }
0xd2: {  	v15 =	vadd.f32 v12, v11;
	v13 =	vadd.f32 v14, v13;
	v10 =	vld [tilespmem:s22+$0xF0]  }
0xd3: {  	v11 =	vld [tilespmem:s22+$0x100]  }
0xd4: {  	v4 =	vadd.f32 v6, v4;
	v6 =	vadd.f32 v13, v15;
	v12 =	vld [tilespmem:s22+$0x110]  }
.Ltmp0:
0xd5: {  	v16 =	vadd.f32 v21, v20;
	v17 =	vadd.f32 v23, v22;
	v13 =	vld [tilespmem:s22+$0x120];
	(pc) =	sbr.rel @p0 .LBB2_3-.Ltmp0, $4  }
0xd6: {  	v24 =	vadd.f32 v25, v24;
	v25 =	vadd.f32 v27, v26;
	v14 =	vld [tilespmem:s22+$0x130]  }
0xd7: {  	v20 =	vadd.f32 v29, v28;
	v21 =	vadd.f32 v31, v30;
	v15 =	vld [tilespmem:s22+$0x140]  }
0xd8: {  	v22 =	vadd.f32 v33, v32;
	v23 =	vadd.f32 v35, v34;
	v18 =	vld [tilespmem:s22+$0x150]  }
0xd9: {  	s24 =	sadd.s32 $0x40, s24;
	v16 =	vadd.f32 v17, v16;
	v17 =	vadd.f32 v25, v24;
	v19 =	vld [tilespmem:s22+$0x160]  }
0xda: {  	v20 =	vadd.f32 v21, v20;
	v21 =	vadd.f32 v23, v22  }
0xdb: {  	v0 =	vadd.f32 v1, v0;
	v1 =	vadd.f32 v3, v2  }
0xdc: {  	v2 =	vadd.f32 v7, v5;
	v3 =	vadd.f32 v9, v8  }
0xdd: {  	v5 =	vld [tilespmem:s22+$0x170];
	v7 =	vadd.f32 v11, v10;
	v8 =	vadd.f32 v13, v12  }
0xde: {  	v9 =	vld [tilespmem:s22+$0x180];
	v10 =	vadd.f32 v15, v14;
	v11 =	vadd.f32 v19, v18  }
0xdf: {  	v0 =	vadd.f32 v1, v0;
	v1 =	vadd.f32 v3, v2  }
0xe0: {  	v2 =	vadd.f32 v8, v7;
	v3 =	vadd.f32 v11, v10  }
0xe1: {  	v7 =	vadd.f32 v17, v16;
	v8 =	vadd.f32 v21, v20  }
0xe2: {  	v0 =	vadd.f32 v1, v0;
	v1 =	vadd.f32 v3, v2  }
0xe3: {  	v2 =	vadd.f32 v9, v5;
	v3 =	vadd.f32 v6, v4  }
0xe4: {  	v4 =	vadd.f32 v8, v7;
	v0 =	vadd.f32 v1, v0;
	_ =	sdelay $0x1  }
0xe5: {  	v1 =	vadd.f32 v4, v3;
	v0 =	vadd.f32 v0, v2;
	_ =	sdelay $0x1  }
0xe6: {  	v0 =	vadd.f32 v0, v1  }
0xe7: {  	s24 =	sshra.s32 s23, $0x2;
	s25 =	sshll.u32 s4, $0x7;
	p0 =	seq.s32 s4, $0x7  }
0xe8: {  	s22 =	smul.u32 @!p0 $0x3200, s4;
	[tilespmem:s24+$0x12C00] =	vst v0;
	s24 =	sadd.s32 s25, s5  }
0xe9: {  	[hbm4b:s24+s2] =	stream.linear.scatter [tilespmem:s20], [sflag:$0x3], $0x200, $0x38;
	[tilespmem:$0x12E00] =	vst v63  }
0xea: {  	s22 =	sshra.s32 @!p0 s22, $0x2;
	_ =	swait.ge [sflag:s7], $0x200  }
0xeb: {  	s23 =	sadd.s32 @!p0 $0xC80, s22;
	[sflag:s7] =	ssyncset.done $0x0  }
0xec: {  	s25 =	simm.s32 @!p0 $0x6400;
	s24 =	simm.s32 @!p0 $0x50;
	[sflag:s7] =	ssyncadd.s32 $0xFFFFFE00  }
0xed: {  	[tilespmem:s25], [sflag:$0x1] =	stream.indirect.gather @!p0 [hbm4b:s3+s24], $0x10, s23, s24, $0xb8;
	[tilespmem:$0x12E00] =	vst v63  }
0xee: {  	s23 =	sadd.s32 @!p0 $0xCD0, s22;
	s25 =	simm.s32 @!p0 $0x6900  }
0xef: {  	[tilespmem:s25], [sflag:$0x1] =	stream.indirect.gather @!p0 [hbm4b:s3+s24], $0x10, s23, s24, $0xb8;
	[tilespmem:$0x12E00] =	vst v63  }
0xf0: {  	s23 =	sadd.s32 @!p0 $0xD20, s22;
	s25 =	simm.s32 @!p0 $0x6E00  }
0xf1: {  	[tilespmem:s25], [sflag:$0x1] =	stream.indirect.gather @!p0 [hbm4b:s3+s24], $0x10, s23, s24, $0xb8;
	[tilespmem:$0x12E00] =	vst v63  }
0xf2: {  	s23 =	sadd.s32 @!p0 $0xD70, s22;
	s25 =	simm.s32 @!p0 $0x7300  }
0xf3: {  	[tilespmem:s25], [sflag:$0x1] =	stream.indirect.gather @!p0 [hbm4b:s3+s24], $0x10, s23, s24, $0xb8;
	[tilespmem:$0x12E00] =	vst v63  }
0xf4: {  	s23 =	sadd.s32 @!p0 $0xDC0, s22;
	s25 =	simm.s32 @!p0 $0x7800  }
0xf5: {  	[tilespmem:s25], [sflag:$0x1] =	stream.indirect.gather @!p0 [hbm4b:s3+s24], $0x10, s23, s24, $0xb8;
	[tilespmem:$0x12E00] =	vst v63  }
0xf6: {  	s23 =	sadd.s32 @!p0 $0xE10, s22;
	s25 =	simm.s32 @!p0 $0x7D00  }
0xf7: {  	[tilespmem:s25], [sflag:$0x1] =	stream.indirect.gather @!p0 [hbm4b:s3+s24], $0x10, s23, s24, $0xb8;
	[tilespmem:$0x12E00] =	vst v63  }
0xf8: {  	s23 =	sadd.s32 @!p0 $0xE60, s22;
	s25 =	simm.s32 @!p0 $0x8200  }
0xf9: {  	[tilespmem:s25], [sflag:$0x1] =	stream.indirect.gather @!p0 [hbm4b:s3+s24], $0x10, s23, s24, $0xb8;
	[tilespmem:$0x12E00] =	vst v63  }
0xfa: {  	s23 =	sadd.s32 @!p0 $0xEB0, s22;
	s25 =	simm.s32 @!p0 $0x8700  }
0xfb: {  	[tilespmem:s25], [sflag:$0x1] =	stream.indirect.gather @!p0 [hbm4b:s3+s24], $0x10, s23, s24, $0xb8;
	[tilespmem:$0x12E00] =	vst v63  }
0xfc: {  	s23 =	sadd.s32 @!p0 $0xF00, s22;
	s25 =	simm.s32 @!p0 $0x8C00  }
0xfd: {  	[tilespmem:s25], [sflag:$0x1] =	stream.indirect.gather @!p0 [hbm4b:s3+s24], $0x10, s23, s24, $0xb8;
	[tilespmem:$0x12E00] =	vst v63  }
0xfe: {  	s23 =	sadd.s32 @!p0 $0xF50, s22;
	s25 =	simm.s32 @!p0 $0x9100  }
0xff: {  	[tilespmem:s25], [sflag:$0x1] =	stream.indirect.gather @!p0 [hbm4b:s3+s24], $0x10, s23, s24, $0xb8;
	[tilespmem:$0x12E00] =	vst v63  }
0x100: {  	s23 =	sadd.s32 @!p0 $0xFA0, s22;
	s25 =	simm.s32 @!p0 $0x9600  }
0x101: {  	[tilespmem:s25], [sflag:$0x1] =	stream.indirect.gather @!p0 [hbm4b:s3+s24], $0x10, s23, s24, $0xb8;
	[tilespmem:$0x12E00] =	vst v63  }
0x102: {  	s23 =	sadd.s32 @!p0 $0xFF0, s22;
	s25 =	simm.s32 @!p0 $0x9B00  }
0x103: {  	[tilespmem:s25], [sflag:$0x1] =	stream.indirect.gather @!p0 [hbm4b:s3+s24], $0x10, s23, s24, $0xb8;
	[tilespmem:$0x12E00] =	vst v63  }
0x104: {  	s23 =	sadd.s32 @!p0 $0x1040, s22;
	s25 =	simm.s32 @!p0 $0xA000  }
0x105: {  	[tilespmem:s25], [sflag:$0x1] =	stream.indirect.gather @!p0 [hbm4b:s3+s24], $0x10, s23, s24, $0xb8;
	[tilespmem:$0x12E00] =	vst v63  }
0x106: {  	s23 =	sadd.s32 @!p0 $0x1090, s22;
	s25 =	simm.s32 @!p0 $0xA500  }
0x107: {  	[tilespmem:s25], [sflag:$0x1] =	stream.indirect.gather @!p0 [hbm4b:s3+s24], $0x10, s23, s24, $0xb8;
	[tilespmem:$0x12E00] =	vst v63  }
0x108: {  	s23 =	sadd.s32 @!p0 $0x10E0, s22;
	s25 =	simm.s32 @!p0 $0xAA00  }
0x109: {  	[tilespmem:s25], [sflag:$0x1] =	stream.indirect.gather @!p0 [hbm4b:s3+s24], $0x10, s23, s24, $0xb8;
	[tilespmem:$0x12E00] =	vst v63  }
0x10a: {  	s23 =	sadd.s32 @!p0 $0x1130, s22;
	s25 =	simm.s32 @!p0 $0xAF00  }
0x10b: {  	[tilespmem:s25], [sflag:$0x1] =	stream.indirect.gather @!p0 [hbm4b:s3+s24], $0x10, s23, s24, $0xb8;
	[tilespmem:$0x12E00] =	vst v63  }
0x10c: {  	s23 =	sadd.s32 @!p0 $0x1180, s22;
	s25 =	simm.s32 @!p0 $0xB400  }
0x10d: {  	[tilespmem:s25], [sflag:$0x1] =	stream.indirect.gather @!p0 [hbm4b:s3+s24], $0x10, s23, s24, $0xb8;
	[tilespmem:$0x12E00] =	vst v63  }
0x10e: {  	s23 =	sadd.s32 @!p0 $0x11D0, s22;
	s25 =	simm.s32 @!p0 $0xB900  }
0x10f: {  	[tilespmem:s25], [sflag:$0x1] =	stream.indirect.gather @!p0 [hbm4b:s3+s24], $0x10, s23, s24, $0xb8;
	[tilespmem:$0x12E00] =	vst v63  }
0x110: {  	s23 =	sadd.s32 @!p0 $0x1220, s22;
	s25 =	simm.s32 @!p0 $0xBE00  }
0x111: {  	[tilespmem:s25], [sflag:$0x1] =	stream.indirect.gather @!p0 [hbm4b:s3+s24], $0x10, s23, s24, $0xb8;
	[tilespmem:$0x12E00] =	vst v63  }
0x112: {  	s22 =	sadd.s32 @!p0 $0x1270, s22;
	s23 =	simm.s32 @!p0 $0xC300  }
0x113: {  	[tilespmem:s23], [sflag:$0x1] =	stream.indirect.gather @!p0 [hbm4b:s3+s24], $0x10, s22, s24, $0xb8;
	[tilespmem:$0x12E00] =	vst v63  }
0x114: {  	_ =	swait.ge [sflag:s21], $0x6400  }
0x115: {  	[sflag:s21] =	ssyncset.done $0x0  }
0x116: {  	s25 =	simm.s32 $0x0;
	[sflag:s21] =	ssyncadd.s32 $0xFFFF9C00  }
0x117: {  	v0 =	vld [tilespmem:s25+$0xC810]  }
0x118: {  	v1 =	vld [tilespmem:s25+$0xC800]  }
0x119: {  	v2 =	vld [tilespmem:s25+$0xC820]  }
0x11a: {  	v3 =	vld [tilespmem:s25+$0xC830]  }
0x11b: {  	v4 =	vld [tilespmem:s25+$0xC840]  }
0x11c: {  	v5 =	vld [tilespmem:s25+$0xC850]  }
0x11d: {  	v6 =	vld [tilespmem:s25+$0xC860]  }
0x11e: {  	v7 =	vld [tilespmem:s25+$0xC870]  }
0x11f: {  	v8 =	vld [tilespmem:s25+$0xC880]  }
0x120: {  	v9 =	vld [tilespmem:s25+$0xC890]  }
0x121: {  	v10 =	vld [tilespmem:s25+$0xC8A0]  }
0x122: {  	v11 =	vld [tilespmem:s25+$0xC8B0]  }
0x123: {  	v12 =	vld [tilespmem:s25+$0xC8C0]  }
0x124: {  	v13 =	vld [tilespmem:s25+$0xC8D0]  }
0x125: {  	v14 =	vld [tilespmem:s25+$0xC8E0]  }
0x126: {  	v15 =	vld [tilespmem:s25+$0xC8F0]  }
0x127: {  	v16 =	vld [tilespmem:s25+$0xC900]  }
0x128: {  	v17 =	vld [tilespmem:s25+$0xC910]  }
0x129: {  	v18 =	vld [tilespmem:s25+$0xC920]  }
0x12a: {  	v19 =	vld [tilespmem:s25+$0xC930]  }
0x12b: {  	v20 =	vld [tilespmem:s25+$0xC940]  }
0x12c: {  	v21 =	vld [tilespmem:s25+$0xC950]  }
0x12d: {  	v22 =	vld [tilespmem:s25+$0xC960]  }
0x12e: {  	v23 =	vld [tilespmem:s25+$0xC970]  }
0x12f: {  	v24 =	vld [tilespmem:s25+$0xC980]  }
0x130: {  	v25 =	vld [tilespmem:s25+$0xC990]  }
0x131: {  	v26 =	vld [tilespmem:s25+$0xC9A0]  }
0x132: {  	v27 =	vld [tilespmem:s25+$0xC9B0]  }
0x133: {  	v28 =	vld [tilespmem:s25+$0xC9C0]  }
0x134: {  	v29 =	vld [tilespmem:s25+$0xC9D0]  }
0x135: {  	v30 =	vld [tilespmem:s25+$0xC9E0]  }
0x136: {  	v31 =	vld [tilespmem:s25+$0xC9F0]  }
0x137: {  	v32 =	vld [tilespmem:s25+$0xCA00]  }
0x138: {  	v33 =	vld [tilespmem:s25+$0xCA10]  }
0x139: {  	v34 =	vld [tilespmem:s25+$0xCA20]  }
0x13a: {  	v35 =	vld [tilespmem:s25+$0xCA30]  }
0x13b: {  	v0 =	vadd.f32 v0, v1;
	v1 =	vadd.f32 v3, v2;
	v2 =	vld [tilespmem:s25+$0xCA40]  }
0x13c: {  	v3 =	vadd.f32 v5, v4;
	v4 =	vadd.f32 v7, v6;
	v5 =	vld [tilespmem:s25+$0xCA50]  }
0x13d: {  	v6 =	vadd.f32 v9, v8;
	v7 =	vadd.f32 v11, v10;
	v8 =	vld [tilespmem:s25+$0xCA60]  }
0x13e: {  	v9 =	vadd.f32 v13, v12;
	v10 =	vadd.f32 v15, v14;
	v11 =	vld [tilespmem:s25+$0xCA70]  }
0x13f: {  	v12 =	vld [tilespmem:s25+$0xCAC0];
	v13 =	vadd.f32 v21, v20;
	v14 =	vadd.f32 v23, v22  }
0x140: {  	v15 =	vld [tilespmem:s25+$0xCAD0];
	v20 =	vadd.f32 v31, v30;
	v0 =	vadd.f32 v1, v0  }
0x141: {  	v21 =	vld [tilespmem:s25+$0xCAF0];
	v1 =	vadd.f32 v4, v3;
	v4 =	vadd.f32 v7, v6  }
0x142: {  	v3 =	vld [tilespmem:s25+$0xCA80];
	v6 =	vadd.f32 v10, v9;
	v10 =	vadd.f32 v19, v18  }
0x143: {  	v7 =	vld [tilespmem:s25+$0xCA90];
	v19 =	vadd.f32 v29, v28;
	v0 =	vadd.f32 v1, v0  }
0x144: {  	v9 =	vld [tilespmem:s25+$0xCAA0];
	v1 =	vadd.f32 v6, v4;
	v6 =	vadd.f32 v17, v16  }
0x145: {  	v18 =	vld [tilespmem:s25+$0xCAE0];
	v16 =	vadd.f32 v25, v24;
	v17 =	vadd.f32 v27, v26  }
0x146: {  	v4 =	vld [tilespmem:s25+$0xCAB0];
	v2 =	vadd.f32 v5, v2;
	v5 =	vadd.f32 v11, v8  }
0x147: {  	v6 =	vadd.f32 v10, v6;
	v10 =	vadd.f32 v14, v13  }
0x148: {  	v13 =	vadd.f32 v17, v16;
	v14 =	vadd.f32 v20, v19  }
0x149: {  	v16 =	vadd.f32 v33, v32;
	v17 =	vadd.f32 v35, v34  }
0x14a: {  	v3 =	vadd.f32 v7, v3;
	v11 =	vadd.f32 v21, v18  }
0x14b: {  	v8 =	vld [tilespmem:s25+$0xCB00];
	v4 =	vadd.f32 v4, v9;
	v9 =	vadd.f32 v15, v12  }
0x14c: {  	v7 =	vld [tilespmem:s25+$0xCB10];
	v2 =	vadd.f32 v5, v2;
	v12 =	vadd.f32 v17, v16  }
0x14d: {  	v3 =	vadd.f32 v4, v3;
	v4 =	vadd.f32 v11, v9  }
0x14e: {  	v5 =	vadd.f32 v10, v6;
	v6 =	vadd.f32 v14, v13  }
0x14f: {  	v2 =	vadd.f32 v2, v12;
	v3 =	vadd.f32 v4, v3  }
0x150: {  	v0 =	vadd.f32 v1, v0;
	v1 =	vadd.f32 v6, v5  }
0x151: {  	v4 =	vadd.f32 v7, v8;
	v2 =	vadd.f32 v3, v2;
	_ =	sdelay $0x1  }
0x152: {  	v0 =	vadd.f32 v1, v0;
	v1 =	vadd.f32 v2, v4;
	_ =	sdelay $0x1  }
0x153: {  	v0 =	vadd.f32 v1, v0  }
0x154: {  	s22 =	simm.s32 $0x12C00  }
0x155: {  	s23 =	simm.s32 $0x320;
	[tilespmem:s22+$0x0] =	vst v0  }
0x156: {  	v4 =	vld [tilespmem:s23+$0xC810]  }
0x157: {  	v5 =	vld [tilespmem:s23+$0xC800]  }
0x158: {  	v6 =	vld [tilespmem:s23+$0xC820]  }
0x159: {  	v7 =	vld [tilespmem:s23+$0xC830]  }
0x15a: {  	v8 =	vld [tilespmem:s23+$0xC840]  }
0x15b: {  	v9 =	vld [tilespmem:s23+$0xC850]  }
0x15c: {  	v10 =	vld [tilespmem:s23+$0xC860]  }
0x15d: {  	v11 =	vld [tilespmem:s23+$0xC870]  }
0x15e: {  	v12 =	vld [tilespmem:s23+$0xC880]  }
0x15f: {  	v13 =	vld [tilespmem:s23+$0xC890]  }
0x160: {  	v14 =	vld [tilespmem:s23+$0xC8A0]  }
0x161: {  	v15 =	vld [tilespmem:s23+$0xC8B0]  }
0x162: {  	v16 =	vld [tilespmem:s23+$0xC8C0]  }
0x163: {  	v17 =	vld [tilespmem:s23+$0xC8D0]  }
0x164: {  	v18 =	vld [tilespmem:s23+$0xC8E0]  }
0x165: {  	v19 =	vld [tilespmem:s23+$0xC8F0]  }
0x166: {  	v20 =	vld [tilespmem:s23+$0xC900]  }
0x167: {  	v21 =	vld [tilespmem:s23+$0xC910]  }
0x168: {  	v22 =	vld [tilespmem:s23+$0xC920]  }
0x169: {  	v23 =	vld [tilespmem:s23+$0xC930]  }
0x16a: {  	v24 =	vld [tilespmem:s23+$0xC940]  }
0x16b: {  	v25 =	vld [tilespmem:s23+$0xC950]  }
0x16c: {  	v26 =	vld [tilespmem:s23+$0xC960]  }
0x16d: {  	v27 =	vld [tilespmem:s23+$0xC970]  }
0x16e: {  	v56 =	vld [tilespmem:s23+$0xC980]  }
0x16f: {  	v57 =	vld [tilespmem:s23+$0xC990]  }
0x170: {  	v58 =	vld [tilespmem:s23+$0xC9A0]  }
0x171: {  	v59 =	vld [tilespmem:s23+$0xC9B0]  }
0x172: {  	v60 =	vld [tilespmem:s23+$0xC9C0]  }
0x173: {  	v61 =	vld [tilespmem:s23+$0xC9D0]  }
0x174: {  	v62 =	vld [tilespmem:s23+$0xC9E0]  }
0x175: {  	v63 =	vld [tilespmem:s23+$0xC9F0]  }
0x176: {  	v0 =	vld [tilespmem:s23+$0xCA00]  }
0x177: {  	v1 =	vld [tilespmem:s23+$0xCA10]  }
0x178: {  	v2 =	vld [tilespmem:s23+$0xCA20]  }
0x179: {  	v3 =	vld [tilespmem:s23+$0xCA30]  }
0x17a: {  	v4 =	vadd.f32 v4, v5;
	v6 =	vadd.f32 v7, v6;
	v5 =	vld [tilespmem:s23+$0xCA40]  }
0x17b: {  	v36 =	vadd.f32 v9, v8;
	v10 =	vadd.f32 v11, v10;
	v7 =	vld [tilespmem:s23+$0xCA50]  }
0x17c: {  	v11 =	vadd.f32 v13, v12;
	v12 =	vadd.f32 v15, v14;
	v8 =	vld [tilespmem:s23+$0xCA60]  }
0x17d: {  	v13 =	vadd.f32 v17, v16;
	v14 =	vadd.f32 v19, v18;
	v9 =	vld [tilespmem:s23+$0xCA70]  }
0x17e: {  	v17 =	vadd.f32 v21, v20;
	v18 =	vadd.f32 v23, v22;
	v16 =	vld [tilespmem:s23+$0xCAE0]  }
0x17f: {  	v4 =	vadd.f32 v6, v4;
	v6 =	vadd.f32 v10, v36;
	v10 =	vld [tilespmem:s23+$0xCA80]  }
0x180: {  	v19 =	vadd.f32 v25, v24;
	v15 =	vadd.f32 v12, v11;
	v11 =	vld [tilespmem:s23+$0xCA90]  }
0x181: {  	v20 =	vadd.f32 v27, v26;
	v13 =	vadd.f32 v14, v13;
	v12 =	vld [tilespmem:s23+$0xCAA0]  }
0x182: {  	v21 =	vadd.f32 v57, v56;
	v22 =	vadd.f32 v59, v58;
	v14 =	vld [tilespmem:s23+$0xCAC0]  }
0x183: {  	v4 =	vadd.f32 v6, v4;
	v6 =	vadd.f32 v13, v15;
	v13 =	vld [tilespmem:s23+$0xCAB0]  }
0x184: {  	s24 =	simm.s32 $0x1900;
	v23 =	vadd.f32 v61, v60;
	v24 =	vadd.f32 v63, v62;
	v15 =	vld [tilespmem:s23+$0xCAD0]  }
.LBB2_5:
0x185: {  	p0 =	sne.s32 s24, $0x18380;
	v25 =	vld [tilespmem:s23+$0xCAF0];
	v17 =	vadd.f32 v18, v17;
	v18 =	vadd.f32 v20, v19  }
0x186: {  	v19 =	vadd.f32 v22, v21;
	v20 =	vadd.f32 v24, v23  }
0x187: {  	v0 =	vadd.f32 v1, v0;
	v1 =	vadd.f32 v3, v2  }
0x188: {  	v2 =	vadd.f32 v7, v5;
	v3 =	vadd.f32 v9, v8  }
0x189: {  	v7 =	vadd.f32 v11, v10;
	v8 =	vadd.f32 v13, v12;
	v5 =	vld [tilespmem:s23+$0xCB00]  }
0x18a: {  	v10 =	vadd.f32 v15, v14;
	v9 =	vld [tilespmem:s23+$0xCB10];
	v11 =	vadd.f32 v25, v16  }
0x18b: {  	v0 =	vadd.f32 v1, v0;
	v1 =	vadd.f32 v3, v2  }
0x18c: {  	v2 =	vadd.f32 v8, v7;
	v3 =	vadd.f32 v11, v10  }
0x18d: {  	v7 =	vadd.f32 v18, v17;
	v8 =	vadd.f32 v20, v19  }
0x18e: {  	v0 =	vadd.f32 v1, v0;
	v1 =	vadd.f32 v3, v2  }
0x18f: {  	v3 =	vadd.f32 v6, v4;
	v2 =	vadd.f32 v9, v5  }
0x190: {  	v4 =	vadd.f32 v8, v7;
	v0 =	vadd.f32 v1, v0;
	_ =	sdelay $0x1  }
0x191: {  	v1 =	vadd.f32 v4, v3;
	v0 =	vadd.f32 v0, v2;
	_ =	sdelay $0x1  }
0x192: {  	v0 =	vadd.f32 v0, v1  }
0x193: {  	s22 =	sadd.s32 $0x10, s22  }
0x194: {  	s23 =	sshra.s32 s24, $0x2;
	[tilespmem:s22+$0x0] =	vst v0  }
0x195: {  	v4 =	vld [tilespmem:s23+$0xC810]  }
0x196: {  	v5 =	vld [tilespmem:s23+$0xC800]  }
0x197: {  	v6 =	vld [tilespmem:s23+$0xC820]  }
0x198: {  	v7 =	vld [tilespmem:s23+$0xC830]  }
0x199: {  	v8 =	vld [tilespmem:s23+$0xC840]  }
0x19a: {  	v9 =	vld [tilespmem:s23+$0xC850]  }
0x19b: {  	v10 =	vld [tilespmem:s23+$0xC860]  }
0x19c: {  	v11 =	vld [tilespmem:s23+$0xC870]  }
0x19d: {  	v12 =	vld [tilespmem:s23+$0xC880]  }
0x19e: {  	v13 =	vld [tilespmem:s23+$0xC890]  }
0x19f: {  	v14 =	vld [tilespmem:s23+$0xC8A0]  }
0x1a0: {  	v15 =	vld [tilespmem:s23+$0xC8B0]  }
0x1a1: {  	v16 =	vld [tilespmem:s23+$0xC8C0]  }
0x1a2: {  	v17 =	vld [tilespmem:s23+$0xC8D0]  }
0x1a3: {  	v18 =	vld [tilespmem:s23+$0xC8E0]  }
0x1a4: {  	v19 =	vld [tilespmem:s23+$0xC8F0]  }
0x1a5: {  	v20 =	vld [tilespmem:s23+$0xC900]  }
0x1a6: {  	v21 =	vld [tilespmem:s23+$0xC910]  }
0x1a7: {  	v22 =	vld [tilespmem:s23+$0xC920]  }
0x1a8: {  	v23 =	vld [tilespmem:s23+$0xC930]  }
0x1a9: {  	v24 =	vld [tilespmem:s23+$0xC940]  }
0x1aa: {  	v25 =	vld [tilespmem:s23+$0xC950]  }
0x1ab: {  	v26 =	vld [tilespmem:s23+$0xC960]  }
0x1ac: {  	v27 =	vld [tilespmem:s23+$0xC970]  }
0x1ad: {  	v28 =	vld [tilespmem:s23+$0xC980]  }
0x1ae: {  	v29 =	vld [tilespmem:s23+$0xC990]  }
0x1af: {  	v30 =	vld [tilespmem:s23+$0xC9A0]  }
0x1b0: {  	v31 =	vld [tilespmem:s23+$0xC9B0]  }
0x1b1: {  	v32 =	vld [tilespmem:s23+$0xC9C0]  }
0x1b2: {  	v33 =	vld [tilespmem:s23+$0xC9D0]  }
0x1b3: {  	v34 =	vld [tilespmem:s23+$0xC9E0]  }
0x1b4: {  	v35 =	vld [tilespmem:s23+$0xC9F0]  }
0x1b5: {  	v0 =	vld [tilespmem:s23+$0xCA00]  }
0x1b6: {  	v1 =	vld [tilespmem:s23+$0xCA10]  }
0x1b7: {  	v2 =	vld [tilespmem:s23+$0xCA20]  }
0x1b8: {  	v4 =	vadd.f32 v4, v5;
	v6 =	vadd.f32 v7, v6;
	v3 =	vld [tilespmem:s23+$0xCA30]  }
0x1b9: {  	v36 =	vadd.f32 v9, v8;
	v10 =	vadd.f32 v11, v10;
	v5 =	vld [tilespmem:s23+$0xCA40]  }
0x1ba: {  	v11 =	vadd.f32 v13, v12;
	v12 =	vadd.f32 v15, v14;
	v7 =	vld [tilespmem:s23+$0xCA50]  }
0x1bb: {  	v13 =	vadd.f32 v17, v16;
	v14 =	vadd.f32 v19, v18;
	v8 =	vld [tilespmem:s23+$0xCA60]  }
0x1bc: {  	v4 =	vadd.f32 v6, v4;
	v6 =	vadd.f32 v10, v36;
	v9 =	vld [tilespmem:s23+$0xCA70]  }
0x1bd: {  	v15 =	vadd.f32 v12, v11;
	v13 =	vadd.f32 v14, v13;
	v10 =	vld [tilespmem:s23+$0xCA80]  }
0x1be: {  	v11 =	vld [tilespmem:s23+$0xCA90]  }
.Ltmp1:
0x1bf: {  	v4 =	vadd.f32 v6, v4;
	v6 =	vadd.f32 v13, v15;
	v12 =	vld [tilespmem:s23+$0xCAA0];
	(pc) =	sbr.rel @p0 .LBB2_5-.Ltmp1, $4  }
0x1c0: {  	v17 =	vadd.f32 v21, v20;
	v18 =	vadd.f32 v23, v22;
	v13 =	vld [tilespmem:s23+$0xCAB0]  }
0x1c1: {  	v19 =	vadd.f32 v25, v24;
	v20 =	vadd.f32 v27, v26;
	v14 =	vld [tilespmem:s23+$0xCAC0]  }
0x1c2: {  	v21 =	vadd.f32 v29, v28;
	v22 =	vadd.f32 v31, v30;
	v15 =	vld [tilespmem:s23+$0xCAD0]  }
0x1c3: {  	s24 =	sadd.s32 $0xC80, s24;
	v23 =	vadd.f32 v33, v32;
	v24 =	vadd.f32 v35, v34;
	v16 =	vld [tilespmem:s23+$0xCAE0]  }
0x1c4: {  	v25 =	vld [tilespmem:s23+$0xCAF0];
	v17 =	vadd.f32 v18, v17;
	v42 =	vadd.f32 v20, v19  }
0x1c5: {  	v43 =	vadd.f32 v22, v21;
	v0 =	vadd.f32 v1, v0  }
0x1c6: {  	v45 =	vadd.f32 v3, v2;
	v46 =	vadd.f32 v7, v5  }
0x1c7: {  	v47 =	vadd.f32 v9, v8;
	v49 =	vadd.f32 v11, v10  }
0x1c8: {  	v48 =	vld [tilespmem:s23+$0xCB00];
	v44 =	vadd.f32 v24, v23;
	v50 =	vadd.f32 v13, v12  }
0x1c9: {  	v51 =	vld [tilespmem:s23+$0xCB10];
	v52 =	vadd.f32 v15, v14;
	v53 =	vadd.f32 v25, v16  }
0x1ca: {  	v0 =	vadd.f32 v45, v0;
	v54 =	vadd.f32 v47, v46  }
0x1cb: {  	v55 =	vadd.f32 v50, v49;
	v56 =	vadd.f32 v53, v52  }
0x1cc: {  	v57 =	vadd.f32 v42, v17;
	v58 =	vadd.f32 v44, v43  }
0x1cd: {  	v0 =	vadd.f32 v54, v0;
	v59 =	vadd.f32 v56, v55  }
0x1ce: {  	v61 =	vadd.f32 v6, v4;
	v60 =	vadd.f32 v51, v48  }
0x1cf: {  	v62 =	vadd.f32 v58, v57;
	v0 =	vadd.f32 v59, v0;
	_ =	sdelay $0x1  }
0x1d0: {  	v63 =	vadd.f32 v62, v61;
	v0 =	vadd.f32 v0, v60;
	_ =	sdelay $0x1  }
0x1d1: {  	s4 =	sadd.s32 $0x1, s4;
	v0 =	vadd.f32 v0, v63  }
0x1d2: {  	s22 =	sadd.s32 $0x10, s22;
	s6 =	sshll.u32 s6, $0x6;
	p0 =	sne.s32 s4, $0x8  }
.Ltmp2:
0x1d3: {  	s6 =	sadd.s32 s6, s5;
	[tilespmem:s22+$0x0] =	vst v0;
	(pc) =	sbr.rel @p0 .LBB2_2-.Ltmp2, $4  }
0x1d4: {  	[hbm4b:s6+s2] =	stream.linear.scatter [tilespmem:s20], [sflag:$0x3], $0x200, $0x38;
	[tilespmem:$0x12E00] =	vst v63  }
0x1d5: {  	_ =	swait.ge [sflag:s7], $0x200  }
0x1d6: {  	[sflag:s7] =	ssyncset.done $0x0  }
0x1d7: {  	[sflag:s7] =	ssyncadd.s32 $0xFFFFFE00  }
0x1d8: {  	s6 =	rddreg [dreg:$0x4]  }
0x1d9: {  	s4 =	rddreg [dreg:$0x3];
	s6 =	sadd.s32 $0x1, s6  }
0x1da: {  	p0 =	sne.s32 s6, s4  }
.Ltmp3:
0x1db: {  	_ = 	snop;
	(pc) =	sbr.rel @p0 .LBB2_1-.Ltmp3, $1  }
0x1dc: {  	_ =	sdelay $0x3  }
0x1dd: {  	_ =	sfence.sel $0x180000  }
0x1de: {  	[bflag:$0x0] =	sbarrier.arrive $0xFFFF  }
0x1df: {  	_ =	strace $0x90000047  }
0x1e0: {  	s0 =	stileid.u32;
	[bflag:$0x2] =	sbarrier.arrive $0xFFFF  }
0x1e1: {  	p0 =	sne.s32 s0, $0x0;
	s0 =	rddreg [dreg:$0x1]  }
0x1e2: {  	s0 =	sadd.s32 @!p0 $0x100000, s0  }
0x1e3: {  	[sflag:s0] =	ssyncadd.tile.s32 @!p0 $0x1;
	_ =	shalt  }
.Lfunc_end2:
_tile_overlayer_lowered:
.L_overlay_start_2:
0x1e4: {  	(tag) =	ssettag $0x2  }
0x1e5: {  	s0 =	rddreg [dreg:$0x0];
	s2 =	stileid.u32  }
0x1e6: {  	s1 =	rddreg [dreg:$0x1];
	p0 =	sne.s32 s2, $0x0  }
0x1e7: {  	s3 =	rddreg [dreg:$0x2];
	[bflag:$0x3] =	sbarrier.arrive $0xFFFF;
	s2 =	simm.s32 @!p0 $0x1C03  }
0x1e8: {  	[timem:s3], [sflag:s2] =	dma.local @!p0 [hbm:s0], s1  }
0x1e9: {  	s0 =	simm.s32 @!p0 $0x3  }
0x1ea: {  	_ =	swait.ge @!p0 [sflag:s0], s1  }
0x1eb: {  	s1 =	ssub.s32 @!p0 $0x0, s1;
	[sflag:s0] =	ssyncset.done @!p0 $0x0  }
0x1ec: {  	[sflag:s0] =	ssyncadd.s32 @!p0 s1  }
0x1ed: {  	[bflag:$0x3] =	sbarrier.arrive $0xFFFF  }
0x1ee: {  	_ =	shalt  }

</sc_bundles>
